<compile_context>
chip_gen: v7x
topology: tpu7x:2x2x1
jax: 0.10.2.dev20260603
libtpu: 0.0.44.dev20260713+nightly
codegen_flags: <defaults>
</compile_context>

<pallas_src>
import jax
import jax.numpy as jnp
from jax import lax
from jax.experimental import pallas as pl
from jax.experimental.pallas import tpu as pltpu
from jax.experimental.pallas import tpu_sc as plsc

N_NODES = 10000
N_EDGES = 320000
D = 128
N_REL = 16
W = D // 2

C = 256
NUM_CHUNKS = N_EDGES // C
NW = 32
CHUNKS_PER_W = NUM_CHUNKS // NW
EXTRA = NUM_CHUNKS - CHUNKS_PER_W * NW


def _sc_body(node_hbm, idx_hbm, rel_hbm, out_hbm,
             rel_v, idx0, idx1, h0, h1, t0, t1, o0, o1,
             si0, si1, sg0, sg1, so0, so1):
    cid = lax.axis_index("c")
    sid = lax.axis_index("s")
    wid = sid * 2 + cid
    base = wid * CHUNKS_PER_W + jnp.minimum(wid, EXTRA)
    count = CHUNKS_PER_W + (wid < EXTRA).astype(jnp.int32)

    idx = (idx0, idx1)
    hh = (h0, h1)
    tt = (t0, t1)
    oo = (o0, o1)
    si = (si0, si1)
    sg = (sg0, sg1)
    so = (so0, so1)

    pltpu.sync_copy(rel_hbm, rel_v)


    iota16 = lax.iota(jnp.int32, 16)
    inv_d = jnp.float32(1.0 / D)

    def idx_copy(k, s):
        return pltpu.make_async_copy(idx_hbm.at[base + k], idx[s], si[s])

    def gathers(s):
        res = []
        for row, dst in ((0, hh[s]), (1, tt[s])):
            for half in (0, 128):
                res.append(pltpu.make_async_copy(
                    node_hbm.at[idx[s].at[row, pl.ds(half, 128)]],
                    dst.at[pl.ds(half, 128)], sg[s]))
        return res

    def out_store(k, s):
        return pltpu.make_async_copy(
            oo[s], out_hbm.at[pl.ds((base + k) * C, C)], so[s])

    def compute(s):
        @plsc.parallel_loop(0, C // 16, step=1, unroll=1)
        def group_body(g):
            rows16 = iota16 + g * 16
            rts = idx[s][2, pl.ds(g * 16, 16)]
            relrow = rts * W
            zero = jnp.zeros((16,), jnp.float32)

            @plsc.parallel_loop(0, W, step=1, unroll=8, carry=(zero, zero))
            def w_loop(w, accs):
                a0, a1 = accs
                col = (iota16 + w) & (W - 1)
                hv = plsc.load_gather(hh[s], [rows16, col])
                tv = plsc.load_gather(tt[s], [rows16, col])
                rv = plsc.load_gather(rel_v, [relrow + col])
                hb = plsc.bitcast(hv, jnp.bfloat16)
                tb = plsc.bitcast(tv, jnp.bfloat16)
                rb = plsc.bitcast(rv, jnp.bfloat16)
                pb = hb * tb * rb
                pa, pc = plsc.unpack(
                    pb, format=plsc.PackFormat.INTERLEAVED,
                    preferred_element_type=jnp.float32)
                return (a0 + pa, a1 + pc)

            a0, a1 = w_loop
            oo[s][pl.ds(g * 16, 16)] = (a0 + a1) * inv_d

    idx_copy(0, 0).start()
    idx_copy(0, 0).wait()
    for g in gathers(0):
        g.start()
    idx_copy(1, 1).start()

    def pair_body(i, carry):
        k0 = 2 * i
        k1 = k0 + 1
        for g in gathers(0):
            g.wait()
        idx_copy(k1, 1).wait()
        for g in gathers(1):
            g.start()

        @pl.when(i >= 1)
        def _():
            out_store(k0 - 2, 0).wait()

        compute(0)
        out_store(k0, 0).start()

        @pl.when(k0 + 2 < count)
        def _():
            idx_copy(k0 + 2, 0).start()

        for g in gathers(1):
            g.wait()

        @pl.when(k0 + 2 < count)
        def _():
            idx_copy(k0 + 2, 0).wait()
            for g in gathers(0):
                g.start()

        @pl.when(i >= 1)
        def _():
            out_store(k1 - 2, 1).wait()

        compute(1)
        out_store(k1, 1).start()

        @pl.when(k1 + 2 < count)
        def _():
            idx_copy(k1 + 2, 1).start()

        return carry

    lax.fori_loop(0, lax.div(count, 2), pair_body, 0)

    @pl.when(lax.rem(count, 2) == 1)
    def _():
        for g in gathers(0):
            g.wait()
        out_store(count - 3, 0).wait()
        compute(0)
        out_store(count - 1, 0).start()

    out_store(0, 0).wait()
    out_store(0, 1).wait()


@jax.jit
def _run(node_packed, idx_packed, rel_packed):
    kfn = pl.kernel(
        _sc_body,
        out_type=jax.ShapeDtypeStruct((N_EDGES,), jnp.float32),
        mesh=plsc.VectorSubcoreMesh(core_axis_name="c", subcore_axis_name="s"),
        compiler_params=pltpu.CompilerParams(needs_layout_passes=False,
                                             use_tc_tiling_on_sc=False),
        scratch_types=[
            pltpu.VMEM((N_REL * W,), jnp.int32),
            pltpu.VMEM((3, C), jnp.int32),
            pltpu.VMEM((3, C), jnp.int32),
            pltpu.VMEM((C, W), jnp.int32),
            pltpu.VMEM((C, W), jnp.int32),
            pltpu.VMEM((C, W), jnp.int32),
            pltpu.VMEM((C, W), jnp.int32),
            pltpu.VMEM((C,), jnp.float32),
            pltpu.VMEM((C,), jnp.float32),
            pltpu.SemaphoreType.DMA,
            pltpu.SemaphoreType.DMA,
            pltpu.SemaphoreType.DMA,
            pltpu.SemaphoreType.DMA,
            pltpu.SemaphoreType.DMA,
            pltpu.SemaphoreType.DMA,
        ],
    )
    return kfn(node_packed, idx_packed, rel_packed)


def kernel(node_embeddings, edge_index, relation_type, relation_emb):
    heads = edge_index[0].astype(jnp.int32).reshape(NUM_CHUNKS, C)
    tails = edge_index[1].astype(jnp.int32).reshape(NUM_CHUNKS, C)
    rt = relation_type.astype(jnp.int32).reshape(NUM_CHUNKS, C)
    idx_packed = jnp.stack([heads, tails, rt], axis=1)
    node_bf = node_embeddings.astype(jnp.bfloat16).reshape(N_NODES, W, 2)
    node_packed = lax.bitcast_convert_type(node_bf, jnp.int32)
    rel_bf = relation_emb.astype(jnp.bfloat16).reshape(N_REL * W, 2)
    rel_packed = lax.bitcast_convert_type(rel_bf, jnp.int32)
    return _run(node_packed, idx_packed, rel_packed)

# --- scband reference (transcript-rebuilt; emitter-appended) ---
"""Pipeline reference for scband-dist-mult-head-10539849744620 (READ-ONLY COPY).

The authoritative reference and input builder live on the scoring server;
editing this copy changes nothing except your own understanding.
"""

import jax, jax.numpy as jnp
import numpy as np

N_NODES = 10000
N_EDGES = 320000
D = 128
N_REL = 16


def setup_inputs(seed: int = 0) -> dict:
    key = jax.random.key(seed)
    k1, k2, k3, k4 = jax.random.split(key, 4)
    node_embeddings = jax.random.normal(k1, (N_NODES, D), dtype=jnp.float32)
    edge_index = jax.random.randint(k2, (2, N_EDGES), 0, N_NODES, dtype=jnp.int64)
    relation_type = jax.random.randint(k3, (N_EDGES,), 0, N_REL, dtype=jnp.int64)
    # relation embedding table, init_as_identity=False -> normal(mean=1.0, std=0.1)
    relation_emb = 1.0 + 0.1 * jax.random.normal(k4, (N_REL, D), dtype=jnp.float32)
    return {
        "node_embeddings": node_embeddings,
        "edge_index": edge_index,
        "relation_type": relation_type,
        "relation_emb": relation_emb,
    }


def reference(node_embeddings, edge_index, relation_type, relation_emb):
    head = jnp.take(node_embeddings, edge_index[0], axis=0)   # [E, D]
    tail = jnp.take(node_embeddings, edge_index[1], axis=0)   # [E, D]
    rel = jnp.take(relation_emb, relation_type, axis=0)       # [E, D]
    score = jnp.mean(head * rel * tail, axis=-1)              # [E]
    return score

if __name__ == "__main__":
    import jax
    _d = setup_inputs()
    print(jax.jit(kernel)(*tuple(_d.values())))

</pallas_src>

<mosaic_0001>
#map = affine_map<(d0, d1) -> (0, 0)>
#map1 = affine_map<(d0, d1) -> (0, 0, 0)>
#map2 = affine_map<(d0, d1) -> (0)>
module attributes {stable_mosaic.version = 14 : i64} {
  func.func @_sc_body(%arg0: i32, %arg1: i32, %arg2: memref<10000x64xi32, #tpu.memory_space<hbm>>, %arg3: memref<1250x3x256xi32, #tpu.memory_space<hbm>>, %arg4: memref<1024xi32, #tpu.memory_space<hbm>>, %arg5: memref<320000xf32, #tpu.memory_space<hbm>>, %arg6: memref<1024xi32, #tpu.memory_space<vmem>>, %arg7: memref<3x256xi32, #tpu.memory_space<vmem>>, %arg8: memref<3x256xi32, #tpu.memory_space<vmem>>, %arg9: memref<256x64xi32, #tpu.memory_space<vmem>>, %arg10: memref<256x64xi32, #tpu.memory_space<vmem>>, %arg11: memref<256x64xi32, #tpu.memory_space<vmem>>, %arg12: memref<256x64xi32, #tpu.memory_space<vmem>>, %arg13: memref<256xf32, #tpu.memory_space<vmem>>, %arg14: memref<256xf32, #tpu.memory_space<vmem>>, %arg15: memref<!tpu.dma_semaphore, #tpu.memory_space<semaphore_mem>>, %arg16: memref<!tpu.dma_semaphore, #tpu.memory_space<semaphore_mem>>, %arg17: memref<!tpu.dma_semaphore, #tpu.memory_space<semaphore_mem>>, %arg18: memref<!tpu.dma_semaphore, #tpu.memory_space<semaphore_mem>>, %arg19: memref<!tpu.dma_semaphore, #tpu.memory_space<semaphore_mem>>, %arg20: memref<!tpu.dma_semaphore, #tpu.memory_space<semaphore_mem>>) attributes {dimension_semantics = [#tpu.dimension_semantics<core_parallel>, #tpu.dimension_semantics<subcore_parallel>], iteration_bounds = array<i64: 2, 16>, scalar_prefetch = 0 : i64, scratch_operands = 15 : i64, tpu.core_type = #tpu.core_type<sc_vector_subcore>, window_params = [{transform_indices = #map}, {transform_indices = #map1}, {transform_indices = #map2}, {transform_indices = #map2}]} {
    %mul3A = arith.constant 2 : i32
    %mul3A_0 = arith.muli %arg1, %mul3A : i32
    %add3A = arith.addi %mul3A_0, %arg0 : i32
    %mul3A_1 = arith.constant 39 : i32
    %mul3A_2 = arith.muli %add3A, %mul3A_1 : i32
    %min3A = arith.constant 2 : i32
    %min3A_3 = arith.minsi %add3A, %min3A : i32
    %add3A_4 = arith.addi %mul3A_2, %min3A_3 : i32
    %lt3A = arith.constant 2 : i32
    %lt3A_5 = arith.cmpi slt, %add3A, %lt3A : i32
    %convert_element_type3A = arith.extui %lt3A_5 : i1 to i32
    %add3A_6 = arith.constant 39 : i32
    %add3A_7 = arith.addi %add3A_6, %convert_element_type3A : i32
    "tpu.region"() ({
      %run_scoped3A = tpu.sem_alloc : memref<!tpu.dma_semaphore, #tpu.memory_space<semaphore_mem>>
      tpu.enqueue_dma source(%arg4 : memref<1024xi32, #tpu.memory_space<hbm>>) target(%arg6 : memref<1024xi32, #tpu.memory_space<vmem>>) target_semaphore(%run_scoped3A : memref<!tpu.dma_semaphore, #tpu.memory_space<semaphore_mem>>)
      tpu.wait_dma2 semaphore(%run_scoped3A : memref<!tpu.dma_semaphore, #tpu.memory_space<semaphore_mem>>) src(%arg4 : memref<1024xi32, #tpu.memory_space<hbm>>) dst(%arg6 : memref<1024xi32, #tpu.memory_space<vmem>>)
      tpu.yield
    }) : () -> ()
    %iota3A = tpu.iota {dimensions = array<i32: 0>} : vector<16xi32>
    %add3A_8 = arith.constant 0 : i32
    %add3A_9 = arith.addi %add3A_4, %add3A_8 : i32
    %dma_start3A = arith.constant 0 : i32
    %dma_start3A_10 = arith.constant 0 : i32
    %dma_start3A_11 = tpu.memref_slice %arg3[%add3A_9, %dma_start3A, %dma_start3A_10] : memref<1250x3x256xi32, #tpu.memory_space<hbm>> -> memref<1x3x256xi32, #tpu.memory_space<hbm>>
    %dma_start3A_12 = tpu.memref_squeeze %dma_start3A_11 : memref<1x3x256xi32, #tpu.memory_space<hbm>> -> memref<3x256xi32, #tpu.memory_space<hbm>>
    %dma_start3A_13 = arith.constant 0 : i32
    %dma_start3A_14 = arith.constant 0 : i32
    %dma_start3A_15 = tpu.memref_slice %arg3[%add3A_9, %dma_start3A_13, %dma_start3A_14] : memref<1250x3x256xi32, #tpu.memory_space<hbm>> -> memref<1x3x256xi32, #tpu.memory_space<hbm>>
    %dma_start3A_16 = tpu.memref_squeeze %dma_start3A_15 : memref<1x3x256xi32, #tpu.memory_space<hbm>> -> memref<3x256xi32, #tpu.memory_space<hbm>>
    tpu.enqueue_dma source(%dma_start3A_16 : memref<3x256xi32, #tpu.memory_space<hbm>>) target(%arg7 : memref<3x256xi32, #tpu.memory_space<vmem>>) target_semaphore(%arg15 : memref<!tpu.dma_semaphore, #tpu.memory_space<semaphore_mem>>)
    %add3A_17 = arith.constant 0 : i32
    %add3A_18 = arith.addi %add3A_4, %add3A_17 : i32
    %dma_wait3A = arith.constant 0 : i32
    %dma_wait3A_19 = arith.constant 0 : i32
    %dma_wait3A_20 = tpu.memref_slice %arg3[%add3A_18, %dma_wait3A, %dma_wait3A_19] : memref<1250x3x256xi32, #tpu.memory_space<hbm>> -> memref<1x3x256xi32, #tpu.memory_space<hbm>>
    %dma_wait3A_21 = tpu.memref_squeeze %dma_wait3A_20 : memref<1x3x256xi32, #tpu.memory_space<hbm>> -> memref<3x256xi32, #tpu.memory_space<hbm>>
    %dma_wait3A_22 = arith.constant 0 : i32
    %dma_wait3A_23 = arith.constant 0 : i32
    %dma_wait3A_24 = tpu.memref_slice %arg3[%add3A_18, %dma_wait3A_22, %dma_wait3A_23] : memref<1250x3x256xi32, #tpu.memory_space<hbm>> -> memref<1x3x256xi32, #tpu.memory_space<hbm>>
    %dma_wait3A_25 = tpu.memref_squeeze %dma_wait3A_24 : memref<1x3x256xi32, #tpu.memory_space<hbm>> -> memref<3x256xi32, #tpu.memory_space<hbm>>
    tpu.wait_dma2 semaphore(%arg15 : memref<!tpu.dma_semaphore, #tpu.memory_space<semaphore_mem>>) src(%dma_wait3A_25 : memref<3x256xi32, #tpu.memory_space<hbm>>) dst(%arg7 : memref<3x256xi32, #tpu.memory_space<vmem>>)
    %dma_start3A_26 = arith.constant 0 : i32
    %dma_start3A_27 = arith.constant 0 : i32
    %dma_start3A_28 = arith.constant 0 : i32
    %dma_start3A_29 = tpu.memref_slice %arg9[%dma_start3A_27, %dma_start3A_28] : memref<256x64xi32, #tpu.memory_space<vmem>> -> memref<128x64xi32, #tpu.memory_space<vmem>>
    %dma_start3A_30 = arith.constant 0 : i32
    %dma_start3A_31 = tpu.memref_slice %arg7[%dma_start3A_26, %dma_start3A_30] : memref<3x256xi32, #tpu.memory_space<vmem>> -> memref<1x128xi32, #tpu.memory_space<vmem>>
    %dma_start3A_32 = tpu.memref_squeeze %dma_start3A_31 : memref<1x128xi32, #tpu.memory_space<vmem>> -> memref<128xi32, #tpu.memory_space<vmem>>
    %dma_start3A_33 = arith.constant 0 : i32
    %dma_start3A_34 = arith.constant 0 : i32
    %dma_start3A_35 = tpu.memref_slice %arg2[%dma_start3A_33, %dma_start3A_34] : memref<10000x64xi32, #tpu.memory_space<hbm>> -> memref<10000x64xi32, #tpu.memory_space<hbm>>
    tpu.enqueue_indirect_dma source(%dma_start3A_35 : memref<10000x64xi32, #tpu.memory_space<hbm>>) target(%dma_start3A_29 : memref<128x64xi32, #tpu.memory_space<vmem>>) offsets(%dma_start3A_32 : memref<128xi32, #tpu.memory_space<vmem>>) semaphore(%arg17 : memref<!tpu.dma_semaphore, #tpu.memory_space<semaphore_mem>>)
    %dma_start3A_36 = arith.constant 0 : i32
    %dma_start3A_37 = arith.constant 128 : i32
    %dma_start3A_38 = arith.constant 0 : i32
    %dma_start3A_39 = tpu.memref_slice %arg9[%dma_start3A_37, %dma_start3A_38] : memref<256x64xi32, #tpu.memory_space<vmem>> -> memref<128x64xi32, #tpu.memory_space<vmem>>
    %dma_start3A_40 = arith.constant 128 : i32
    %dma_start3A_41 = tpu.memref_slice %arg7[%dma_start3A_36, %dma_start3A_40] : memref<3x256xi32, #tpu.memory_space<vmem>> -> memref<1x128xi32, #tpu.memory_space<vmem>>
    %dma_start3A_42 = tpu.memref_squeeze %dma_start3A_41 : memref<1x128xi32, #tpu.memory_space<vmem>> -> memref<128xi32, #tpu.memory_space<vmem>>
    %dma_start3A_43 = arith.constant 0 : i32
    %dma_start3A_44 = arith.constant 0 : i32
    %dma_start3A_45 = tpu.memref_slice %arg2[%dma_start3A_43, %dma_start3A_44] : memref<10000x64xi32, #tpu.memory_space<hbm>> -> memref<10000x64xi32, #tpu.memory_space<hbm>>
    tpu.enqueue_indirect_dma source(%dma_start3A_45 : memref<10000x64xi32, #tpu.memory_space<hbm>>) target(%dma_start3A_39 : memref<128x64xi32, #tpu.memory_space<vmem>>) offsets(%dma_start3A_42 : memref<128xi32, #tpu.memory_space<vmem>>) semaphore(%arg17 : memref<!tpu.dma_semaphore, #tpu.memory_space<semaphore_mem>>)
    %dma_start3A_46 = arith.constant 1 : i32
    %dma_start3A_47 = arith.constant 0 : i32
    %dma_start3A_48 = arith.constant 0 : i32
    %dma_start3A_49 = tpu.memref_slice %arg11[%dma_start3A_47, %dma_start3A_48] : memref<256x64xi32, #tpu.memory_space<vmem>> -> memref<128x64xi32, #tpu.memory_space<vmem>>
    %dma_start3A_50 = arith.constant 0 : i32
    %dma_start3A_51 = tpu.memref_slice %arg7[%dma_start3A_46, %dma_start3A_50] : memref<3x256xi32, #tpu.memory_space<vmem>> -> memref<1x128xi32, #tpu.memory_space<vmem>>
    %dma_start3A_52 = tpu.memref_squeeze %dma_start3A_51 : memref<1x128xi32, #tpu.memory_space<vmem>> -> memref<128xi32, #tpu.memory_space<vmem>>
    %dma_start3A_53 = arith.constant 0 : i32
    %dma_start3A_54 = arith.constant 0 : i32
    %dma_start3A_55 = tpu.memref_slice %arg2[%dma_start3A_53, %dma_start3A_54] : memref<10000x64xi32, #tpu.memory_space<hbm>> -> memref<10000x64xi32, #tpu.memory_space<hbm>>
    tpu.enqueue_indirect_dma source(%dma_start3A_55 : memref<10000x64xi32, #tpu.memory_space<hbm>>) target(%dma_start3A_49 : memref<128x64xi32, #tpu.memory_space<vmem>>) offsets(%dma_start3A_52 : memref<128xi32, #tpu.memory_space<vmem>>) semaphore(%arg17 : memref<!tpu.dma_semaphore, #tpu.memory_space<semaphore_mem>>)
    %dma_start3A_56 = arith.constant 1 : i32
    %dma_start3A_57 = arith.constant 128 : i32
    %dma_start3A_58 = arith.constant 0 : i32
    %dma_start3A_59 = tpu.memref_slice %arg11[%dma_start3A_57, %dma_start3A_58] : memref<256x64xi32, #tpu.memory_space<vmem>> -> memref<128x64xi32, #tpu.memory_space<vmem>>
    %dma_start3A_60 = arith.constant 128 : i32
    %dma_start3A_61 = tpu.memref_slice %arg7[%dma_start3A_56, %dma_start3A_60] : memref<3x256xi32, #tpu.memory_space<vmem>> -> memref<1x128xi32, #tpu.memory_space<vmem>>
    %dma_start3A_62 = tpu.memref_squeeze %dma_start3A_61 : memref<1x128xi32, #tpu.memory_space<vmem>> -> memref<128xi32, #tpu.memory_space<vmem>>
    %dma_start3A_63 = arith.constant 0 : i32
    %dma_start3A_64 = arith.constant 0 : i32
    %dma_start3A_65 = tpu.memref_slice %arg2[%dma_start3A_63, %dma_start3A_64] : memref<10000x64xi32, #tpu.memory_space<hbm>> -> memref<10000x64xi32, #tpu.memory_space<hbm>>
    tpu.enqueue_indirect_dma source(%dma_start3A_65 : memref<10000x64xi32, #tpu.memory_space<hbm>>) target(%dma_start3A_59 : memref<128x64xi32, #tpu.memory_space<vmem>>) offsets(%dma_start3A_62 : memref<128xi32, #tpu.memory_space<vmem>>) semaphore(%arg17 : memref<!tpu.dma_semaphore, #tpu.memory_space<semaphore_mem>>)
    %add3A_66 = arith.constant 1 : i32
    %add3A_67 = arith.addi %add3A_4, %add3A_66 : i32
    %dma_start3A_68 = arith.constant 0 : i32
    %dma_start3A_69 = arith.constant 0 : i32
    %dma_start3A_70 = tpu.memref_slice %arg3[%add3A_67, %dma_start3A_68, %dma_start3A_69] : memref<1250x3x256xi32, #tpu.memory_space<hbm>> -> memref<1x3x256xi32, #tpu.memory_space<hbm>>
    %dma_start3A_71 = tpu.memref_squeeze %dma_start3A_70 : memref<1x3x256xi32, #tpu.memory_space<hbm>> -> memref<3x256xi32, #tpu.memory_space<hbm>>
    %dma_start3A_72 = arith.constant 0 : i32
    %dma_start3A_73 = arith.constant 0 : i32
    %dma_start3A_74 = tpu.memref_slice %arg3[%add3A_67, %dma_start3A_72, %dma_start3A_73] : memref<1250x3x256xi32, #tpu.memory_space<hbm>> -> memref<1x3x256xi32, #tpu.memory_space<hbm>>
    %dma_start3A_75 = tpu.memref_squeeze %dma_start3A_74 : memref<1x3x256xi32, #tpu.memory_space<hbm>> -> memref<3x256xi32, #tpu.memory_space<hbm>>
    tpu.enqueue_dma source(%dma_start3A_75 : memref<3x256xi32, #tpu.memory_space<hbm>>) target(%arg8 : memref<3x256xi32, #tpu.memory_space<vmem>>) target_semaphore(%arg16 : memref<!tpu.dma_semaphore, #tpu.memory_space<semaphore_mem>>)
    %div3A = arith.constant 2 : i32
    %div3A_76 = arith.divsi %add3A_7, %div3A : i32
    %while3A = arith.constant 0 : i32
    %while3A_77 = arith.constant 7.812500e-03 : f32
    %while3A_78 = arith.constant 0 : i32
    %while3A_79 = arith.subi %div3A_76, %while3A_78 : i32
    %while3A_80 = arith.addi %while3A_78, %while3A_79 : i32
    %while3A_81 = arith.constant 1 : i32
    %while3A_82 = arith.divsi %while3A_79, %while3A_81 : i32
    %while3A_83 = arith.muli %while3A_82, %while3A_81 : i32
    %while3A_84 = arith.addi %while3A_78, %while3A_83 : i32
    %while3A_85 = arith.constant 1 : i32
    scf.for %while3A_104 = %while3A_78 to %while3A_84 step %while3A_85  : i32 {
      %mul3A_105 = arith.constant 2 : i32
      %mul3A_106 = arith.muli %mul3A_105, %while3A_104 : i32
      %add3A_107 = arith.constant 1 : i32
      %add3A_108 = arith.addi %mul3A_106, %add3A_107 : i32
      %dma_wait3A_109 = arith.constant 0 : i32
      %dma_wait3A_110 = arith.constant 0 : i32
      %dma_wait3A_111 = arith.constant 0 : i32
      %dma_wait3A_112 = tpu.memref_slice %arg9[%dma_wait3A_110, %dma_wait3A_111] : memref<256x64xi32, #tpu.memory_space<vmem>> -> memref<128x64xi32, #tpu.memory_space<vmem>>
      %dma_wait3A_113 = arith.constant 0 : i32
      %dma_wait3A_114 = tpu.memref_slice %arg7[%dma_wait3A_109, %dma_wait3A_113] : memref<3x256xi32, #tpu.memory_space<vmem>> -> memref<1x128xi32, #tpu.memory_space<vmem>>
      %dma_wait3A_115 = tpu.memref_squeeze %dma_wait3A_114 : memref<1x128xi32, #tpu.memory_space<vmem>> -> memref<128xi32, #tpu.memory_space<vmem>>
      %dma_wait3A_116 = arith.constant 0 : i32
      %dma_wait3A_117 = arith.constant 0 : i32
      %dma_wait3A_118 = tpu.memref_slice %arg2[%dma_wait3A_116, %dma_wait3A_117] : memref<10000x64xi32, #tpu.memory_space<hbm>> -> memref<10000x64xi32, #tpu.memory_space<hbm>>
      tpu.wait_indirect_dma semaphore(%arg17 : memref<!tpu.dma_semaphore, #tpu.memory_space<semaphore_mem>>) src(%dma_wait3A_118 : memref<10000x64xi32, #tpu.memory_space<hbm>>) dst(%dma_wait3A_112 : memref<128x64xi32, #tpu.memory_space<vmem>>)
      %dma_wait3A_119 = arith.constant 0 : i32
      %dma_wait3A_120 = arith.constant 128 : i32
      %dma_wait3A_121 = arith.constant 0 : i32
      %dma_wait3A_122 = tpu.memref_slice %arg9[%dma_wait3A_120, %dma_wait3A_121] : memref<256x64xi32, #tpu.memory_space<vmem>> -> memref<128x64xi32, #tpu.memory_space<vmem>>
      %dma_wait3A_123 = arith.constant 128 : i32
      %dma_wait3A_124 = tpu.memref_slice %arg7[%dma_wait3A_119, %dma_wait3A_123] : memref<3x256xi32, #tpu.memory_space<vmem>> -> memref<1x128xi32, #tpu.memory_space<vmem>>
      %dma_wait3A_125 = tpu.memref_squeeze %dma_wait3A_124 : memref<1x128xi32, #tpu.memory_space<vmem>> -> memref<128xi32, #tpu.memory_space<vmem>>
      %dma_wait3A_126 = arith.constant 0 : i32
      %dma_wait3A_127 = arith.constant 0 : i32
      %dma_wait3A_128 = tpu.memref_slice %arg2[%dma_wait3A_126, %dma_wait3A_127] : memref<10000x64xi32, #tpu.memory_space<hbm>> -> memref<10000x64xi32, #tpu.memory_space<hbm>>
      tpu.wait_indirect_dma semaphore(%arg17 : memref<!tpu.dma_semaphore, #tpu.memory_space<semaphore_mem>>) src(%dma_wait3A_128 : memref<10000x64xi32, #tpu.memory_space<hbm>>) dst(%dma_wait3A_122 : memref<128x64xi32, #tpu.memory_space<vmem>>)
      %dma_wait3A_129 = arith.constant 1 : i32
      %dma_wait3A_130 = arith.constant 0 : i32
      %dma_wait3A_131 = arith.constant 0 : i32
      %dma_wait3A_132 = tpu.memref_slice %arg11[%dma_wait3A_130, %dma_wait3A_131] : memref<256x64xi32, #tpu.memory_space<vmem>> -> memref<128x64xi32, #tpu.memory_space<vmem>>
      %dma_wait3A_133 = arith.constant 0 : i32
      %dma_wait3A_134 = tpu.memref_slice %arg7[%dma_wait3A_129, %dma_wait3A_133] : memref<3x256xi32, #tpu.memory_space<vmem>> -> memref<1x128xi32, #tpu.memory_space<vmem>>
      %dma_wait3A_135 = tpu.memref_squeeze %dma_wait3A_134 : memref<1x128xi32, #tpu.memory_space<vmem>> -> memref<128xi32, #tpu.memory_space<vmem>>
      %dma_wait3A_136 = arith.constant 0 : i32
      %dma_wait3A_137 = arith.constant 0 : i32
      %dma_wait3A_138 = tpu.memref_slice %arg2[%dma_wait3A_136, %dma_wait3A_137] : memref<10000x64xi32, #tpu.memory_space<hbm>> -> memref<10000x64xi32, #tpu.memory_space<hbm>>
      tpu.wait_indirect_dma semaphore(%arg17 : memref<!tpu.dma_semaphore, #tpu.memory_space<semaphore_mem>>) src(%dma_wait3A_138 : memref<10000x64xi32, #tpu.memory_space<hbm>>) dst(%dma_wait3A_132 : memref<128x64xi32, #tpu.memory_space<vmem>>)
      %dma_wait3A_139 = arith.constant 1 : i32
      %dma_wait3A_140 = arith.constant 128 : i32
      %dma_wait3A_141 = arith.constant 0 : i32
      %dma_wait3A_142 = tpu.memref_slice %arg11[%dma_wait3A_140, %dma_wait3A_141] : memref<256x64xi32, #tpu.memory_space<vmem>> -> memref<128x64xi32, #tpu.memory_space<vmem>>
      %dma_wait3A_143 = arith.constant 128 : i32
      %dma_wait3A_144 = tpu.memref_slice %arg7[%dma_wait3A_139, %dma_wait3A_143] : memref<3x256xi32, #tpu.memory_space<vmem>> -> memref<1x128xi32, #tpu.memory_space<vmem>>
      %dma_wait3A_145 = tpu.memref_squeeze %dma_wait3A_144 : memref<1x128xi32, #tpu.memory_space<vmem>> -> memref<128xi32, #tpu.memory_space<vmem>>
      %dma_wait3A_146 = arith.constant 0 : i32
      %dma_wait3A_147 = arith.constant 0 : i32
      %dma_wait3A_148 = tpu.memref_slice %arg2[%dma_wait3A_146, %dma_wait3A_147] : memref<10000x64xi32, #tpu.memory_space<hbm>> -> memref<10000x64xi32, #tpu.memory_space<hbm>>
      tpu.wait_indirect_dma semaphore(%arg17 : memref<!tpu.dma_semaphore, #tpu.memory_space<semaphore_mem>>) src(%dma_wait3A_148 : memref<10000x64xi32, #tpu.memory_space<hbm>>) dst(%dma_wait3A_142 : memref<128x64xi32, #tpu.memory_space<vmem>>)
      %add3A_149 = arith.addi %add3A_4, %add3A_108 : i32
      %dma_wait3A_150 = arith.constant 0 : i32
      %dma_wait3A_151 = arith.constant 0 : i32
      %dma_wait3A_152 = tpu.memref_slice %arg3[%add3A_149, %dma_wait3A_150, %dma_wait3A_151] : memref<1250x3x256xi32, #tpu.memory_space<hbm>> -> memref<1x3x256xi32, #tpu.memory_space<hbm>>
      %dma_wait3A_153 = tpu.memref_squeeze %dma_wait3A_152 : memref<1x3x256xi32, #tpu.memory_space<hbm>> -> memref<3x256xi32, #tpu.memory_space<hbm>>
      %dma_wait3A_154 = arith.constant 0 : i32
      %dma_wait3A_155 = arith.constant 0 : i32
      %dma_wait3A_156 = tpu.memref_slice %arg3[%add3A_149, %dma_wait3A_154, %dma_wait3A_155] : memref<1250x3x256xi32, #tpu.memory_space<hbm>> -> memref<1x3x256xi32, #tpu.memory_space<hbm>>
      %dma_wait3A_157 = tpu.memref_squeeze %dma_wait3A_156 : memref<1x3x256xi32, #tpu.memory_space<hbm>> -> memref<3x256xi32, #tpu.memory_space<hbm>>
      tpu.wait_dma2 semaphore(%arg16 : memref<!tpu.dma_semaphore, #tpu.memory_space<semaphore_mem>>) src(%dma_wait3A_157 : memref<3x256xi32, #tpu.memory_space<hbm>>) dst(%arg8 : memref<3x256xi32, #tpu.memory_space<vmem>>)
      %dma_start3A_158 = arith.constant 0 : i32
      %dma_start3A_159 = arith.constant 0 : i32
      %dma_start3A_160 = arith.constant 0 : i32
      %dma_start3A_161 = tpu.memref_slice %arg10[%dma_start3A_159, %dma_start3A_160] : memref<256x64xi32, #tpu.memory_space<vmem>> -> memref<128x64xi32, #tpu.memory_space<vmem>>
      %dma_start3A_162 = arith.constant 0 : i32
      %dma_start3A_163 = tpu.memref_slice %arg8[%dma_start3A_158, %dma_start3A_162] : memref<3x256xi32, #tpu.memory_space<vmem>> -> memref<1x128xi32, #tpu.memory_space<vmem>>
      %dma_start3A_164 = tpu.memref_squeeze %dma_start3A_163 : memref<1x128xi32, #tpu.memory_space<vmem>> -> memref<128xi32, #tpu.memory_space<vmem>>
      %dma_start3A_165 = arith.constant 0 : i32
      %dma_start3A_166 = arith.constant 0 : i32
      %dma_start3A_167 = tpu.memref_slice %arg2[%dma_start3A_165, %dma_start3A_166] : memref<10000x64xi32, #tpu.memory_space<hbm>> -> memref<10000x64xi32, #tpu.memory_space<hbm>>
      tpu.enqueue_indirect_dma source(%dma_start3A_167 : memref<10000x64xi32, #tpu.memory_space<hbm>>) target(%dma_start3A_161 : memref<128x64xi32, #tpu.memory_space<vmem>>) offsets(%dma_start3A_164 : memref<128xi32, #tpu.memory_space<vmem>>) semaphore(%arg18 : memref<!tpu.dma_semaphore, #tpu.memory_space<semaphore_mem>>)
      %dma_start3A_168 = arith.constant 0 : i32
      %dma_start3A_169 = arith.constant 128 : i32
      %dma_start3A_170 = arith.constant 0 : i32
      %dma_start3A_171 = tpu.memref_slice %arg10[%dma_start3A_169, %dma_start3A_170] : memref<256x64xi32, #tpu.memory_space<vmem>> -> memref<128x64xi32, #tpu.memory_space<vmem>>
      %dma_start3A_172 = arith.constant 128 : i32
      %dma_start3A_173 = tpu.memref_slice %arg8[%dma_start3A_168, %dma_start3A_172] : memref<3x256xi32, #tpu.memory_space<vmem>> -> memref<1x128xi32, #tpu.memory_space<vmem>>
      %dma_start3A_174 = tpu.memref_squeeze %dma_start3A_173 : memref<1x128xi32, #tpu.memory_space<vmem>> -> memref<128xi32, #tpu.memory_space<vmem>>
      %dma_start3A_175 = arith.constant 0 : i32
      %dma_start3A_176 = arith.constant 0 : i32
      %dma_start3A_177 = tpu.memref_slice %arg2[%dma_start3A_175, %dma_start3A_176] : memref<10000x64xi32, #tpu.memory_space<hbm>> -> memref<10000x64xi32, #tpu.memory_space<hbm>>
      tpu.enqueue_indirect_dma source(%dma_start3A_177 : memref<10000x64xi32, #tpu.memory_space<hbm>>) target(%dma_start3A_171 : memref<128x64xi32, #tpu.memory_space<vmem>>) offsets(%dma_start3A_174 : memref<128xi32, #tpu.memory_space<vmem>>) semaphore(%arg18 : memref<!tpu.dma_semaphore, #tpu.memory_space<semaphore_mem>>)
      %dma_start3A_178 = arith.constant 1 : i32
      %dma_start3A_179 = arith.constant 0 : i32
      %dma_start3A_180 = arith.constant 0 : i32
      %dma_start3A_181 = tpu.memref_slice %arg12[%dma_start3A_179, %dma_start3A_180] : memref<256x64xi32, #tpu.memory_space<vmem>> -> memref<128x64xi32, #tpu.memory_space<vmem>>
      %dma_start3A_182 = arith.constant 0 : i32
      %dma_start3A_183 = tpu.memref_slice %arg8[%dma_start3A_178, %dma_start3A_182] : memref<3x256xi32, #tpu.memory_space<vmem>> -> memref<1x128xi32, #tpu.memory_space<vmem>>
      %dma_start3A_184 = tpu.memref_squeeze %dma_start3A_183 : memref<1x128xi32, #tpu.memory_space<vmem>> -> memref<128xi32, #tpu.memory_space<vmem>>
      %dma_start3A_185 = arith.constant 0 : i32
      %dma_start3A_186 = arith.constant 0 : i32
      %dma_start3A_187 = tpu.memref_slice %arg2[%dma_start3A_185, %dma_start3A_186] : memref<10000x64xi32, #tpu.memory_space<hbm>> -> memref<10000x64xi32, #tpu.memory_space<hbm>>
      tpu.enqueue_indirect_dma source(%dma_start3A_187 : memref<10000x64xi32, #tpu.memory_space<hbm>>) target(%dma_start3A_181 : memref<128x64xi32, #tpu.memory_space<vmem>>) offsets(%dma_start3A_184 : memref<128xi32, #tpu.memory_space<vmem>>) semaphore(%arg18 : memref<!tpu.dma_semaphore, #tpu.memory_space<semaphore_mem>>)
      %dma_start3A_188 = arith.constant 1 : i32
      %dma_start3A_189 = arith.constant 128 : i32
      %dma_start3A_190 = arith.constant 0 : i32
      %dma_start3A_191 = tpu.memref_slice %arg12[%dma_start3A_189, %dma_start3A_190] : memref<256x64xi32, #tpu.memory_space<vmem>> -> memref<128x64xi32, #tpu.memory_space<vmem>>
      %dma_start3A_192 = arith.constant 128 : i32
      %dma_start3A_193 = tpu.memref_slice %arg8[%dma_start3A_188, %dma_start3A_192] : memref<3x256xi32, #tpu.memory_space<vmem>> -> memref<1x128xi32, #tpu.memory_space<vmem>>
      %dma_start3A_194 = tpu.memref_squeeze %dma_start3A_193 : memref<1x128xi32, #tpu.memory_space<vmem>> -> memref<128xi32, #tpu.memory_space<vmem>>
      %dma_start3A_195 = arith.constant 0 : i32
      %dma_start3A_196 = arith.constant 0 : i32
      %dma_start3A_197 = tpu.memref_slice %arg2[%dma_start3A_195, %dma_start3A_196] : memref<10000x64xi32, #tpu.memory_space<hbm>> -> memref<10000x64xi32, #tpu.memory_space<hbm>>
      tpu.enqueue_indirect_dma source(%dma_start3A_197 : memref<10000x64xi32, #tpu.memory_space<hbm>>) target(%dma_start3A_191 : memref<128x64xi32, #tpu.memory_space<vmem>>) offsets(%dma_start3A_194 : memref<128xi32, #tpu.memory_space<vmem>>) semaphore(%arg18 : memref<!tpu.dma_semaphore, #tpu.memory_space<semaphore_mem>>)
      %ge3A = arith.constant 1 : i32
      %ge3A_198 = arith.cmpi sge, %while3A_104, %ge3A : i32
      %convert_element_type3A_199 = arith.extui %ge3A_198 : i1 to i32
      %cond3A_200 = arith.constant 0 : i32
      %cond3A_201 = arith.cmpi ne, %convert_element_type3A_199, %cond3A_200 : i32
      scf.if %cond3A_201 {
        %sub3A = arith.constant 2 : i32
        %sub3A_280 = arith.subi %mul3A_106, %sub3A : i32
        %add3A_281 = arith.addi %add3A_4, %sub3A_280 : i32
        %mul3A_282 = arith.constant 256 : i32
        %mul3A_283 = arith.muli %add3A_281, %mul3A_282 : i32
        %dma_wait3A_284 = tpu.memref_slice %arg5[%mul3A_283] : memref<320000xf32, #tpu.memory_space<hbm>> -> memref<256xf32, #tpu.memory_space<hbm>>
        %dma_wait3A_285 = tpu.memref_slice %arg5[%mul3A_283] : memref<320000xf32, #tpu.memory_space<hbm>> -> memref<256xf32, #tpu.memory_space<hbm>>
        tpu.wait_dma2 semaphore(%arg19 : memref<!tpu.dma_semaphore, #tpu.memory_space<semaphore_mem>>) src(%arg13 : memref<256xf32, #tpu.memory_space<vmem>>) dst(%dma_wait3A_285 : memref<256xf32, #tpu.memory_space<hbm>>)
      } else {
      }
      %parallel_loop3A = arith.constant 0 : i32
      %parallel_loop3A_202 = arith.constant 16 : i32
      %parallel_loop3A_203 = arith.constant 1 : i32
      scf.for %parallel_loop3A_280 = %parallel_loop3A to %parallel_loop3A_202 step %parallel_loop3A_203  : i32 {
        %parallel_loop3A_281 = arith.constant 16 : i32
        %parallel_loop3A_282 = arith.muli %parallel_loop3A_280, %parallel_loop3A_281 : i32
        %parallel_loop3A_283 = vector.broadcast %parallel_loop3A_282 : i32 to vector<16xi32>
        %parallel_loop3A_284 = arith.addi %iota3A, %parallel_loop3A_283 : vector<16xi32>
        %parallel_loop3A_285 = arith.constant 16 : i32
        %parallel_loop3A_286 = arith.muli %parallel_loop3A_280, %parallel_loop3A_285 : i32
        %parallel_loop3A_287 = arith.constant 2 : i32
        %parallel_loop3A_288 = arith.index_cast %parallel_loop3A_287 : i32 to index
        %parallel_loop3A_289 = arith.index_cast %parallel_loop3A_286 : i32 to index
        %parallel_loop3A_290 = tpu.vector_load %arg7[%parallel_loop3A_288, %parallel_loop3A_289] {strides = array<i32>} : memref<3x256xi32, #tpu.memory_space<vmem>>, vector<16xi32>,
        %parallel_loop3A_291 = arith.constant 64 : i32
        %parallel_loop3A_292 = vector.broadcast %parallel_loop3A_291 : i32 to vector<16xi32>
        %parallel_loop3A_293 = arith.muli %parallel_loop3A_290, %parallel_loop3A_292 : vector<16xi32>
        %parallel_loop3A_294 = arith.constant 0.000000e+00 : f32
        %parallel_loop3A_295 = vector.broadcast %parallel_loop3A_294 : f32 to vector<16xf32>
        %parallel_loop3A_296 = arith.constant 0 : i32
        %parallel_loop3A_297 = arith.constant 64 : i32
        %parallel_loop3A_298 = arith.constant 1 : i32
        %parallel_loop3A_299:2 = scf.for %parallel_loop3A_307 = %parallel_loop3A_296 to %parallel_loop3A_297 step %parallel_loop3A_298 iter_args(%parallel_loop3A_308 = %parallel_loop3A_295, %parallel_loop3A_309 = %parallel_loop3A_295) -> (vector<16xf32>, vector<16xf32>)  : i32 {
          %parallel_loop3A_310 = vector.broadcast %parallel_loop3A_307 : i32 to vector<16xi32>
          %parallel_loop3A_311 = arith.addi %iota3A, %parallel_loop3A_310 : vector<16xi32>
          %parallel_loop3A_312 = arith.constant 63 : i32
          %parallel_loop3A_313 = vector.broadcast %parallel_loop3A_312 : i32 to vector<16xi32>
          %parallel_loop3A_314 = arith.andi %parallel_loop3A_311, %parallel_loop3A_313 : vector<16xi32>
          %parallel_loop3A_315 = tpu.vector_load_idx %arg9[%parallel_loop3A_284, %parallel_loop3A_314] : memref<256x64xi32, #tpu.memory_space<vmem>>[vector<16xi32>, vector<16xi32>], vector<16xi32>,
          %parallel_loop3A_316 = tpu.vector_load_idx %arg11[%parallel_loop3A_284, %parallel_loop3A_314] : memref<256x64xi32, #tpu.memory_space<vmem>>[vector<16xi32>, vector<16xi32>], vector<16xi32>,
          %parallel_loop3A_317 = arith.addi %parallel_loop3A_293, %parallel_loop3A_314 : vector<16xi32>
          %parallel_loop3A_318 = tpu.vector_load_idx %arg6[%parallel_loop3A_317] : memref<1024xi32, #tpu.memory_space<vmem>>[vector<16xi32>], vector<16xi32>,
          %parallel_loop3A_319 = vector.bitcast %parallel_loop3A_315 : vector<16xi32> to vector<32xbf16>
          %parallel_loop3A_320 = vector.bitcast %parallel_loop3A_316 : vector<16xi32> to vector<32xbf16>
          %parallel_loop3A_321 = vector.bitcast %parallel_loop3A_318 : vector<16xi32> to vector<32xbf16>
          %parallel_loop3A_322 = arith.mulf %parallel_loop3A_319, %parallel_loop3A_320 : vector<32xbf16>
          %parallel_loop3A_323 = arith.mulf %parallel_loop3A_322, %parallel_loop3A_321 : vector<32xbf16>
          %parallel_loop3A_324 = tpu.unpack_subelements %parallel_loop3A_323, 0 {pack_format = #tpu.pack_format<interleaved>} : vector<32xbf16> -> vector<16xf32>
          %parallel_loop3A_325 = tpu.unpack_subelements %parallel_loop3A_323, 1 {pack_format = #tpu.pack_format<interleaved>} : vector<32xbf16> -> vector<16xf32>
          %parallel_loop3A_326 = arith.addf %parallel_loop3A_308, %parallel_loop3A_324 : vector<16xf32>
          %parallel_loop3A_327 = arith.addf %parallel_loop3A_309, %parallel_loop3A_325 : vector<16xf32>
          scf.yield %parallel_loop3A_326, %parallel_loop3A_327 : vector<16xf32>, vector<16xf32>
        } {sc.loop_unroll_factor = 8 : i64, sc.parallel_access}
        %parallel_loop3A_300 = arith.addf %parallel_loop3A_299#0, %parallel_loop3A_299#1 : vector<16xf32>
        %parallel_loop3A_301 = vector.broadcast %while3A_77 : f32 to vector<16xf32>
        %parallel_loop3A_302 = arith.mulf %parallel_loop3A_300, %parallel_loop3A_301 : vector<16xf32>
        %parallel_loop3A_303 = arith.constant 16 : i32
        %parallel_loop3A_304 = arith.muli %parallel_loop3A_280, %parallel_loop3A_303 : i32
        %parallel_loop3A_305 = arith.index_cast %parallel_loop3A_304 : i32 to index
        %parallel_loop3A_306 = tpu.vector_load %arg13[%parallel_loop3A_305] {strides = array<i32>} : memref<256xf32, #tpu.memory_space<vmem>>, vector<16xf32>,
        tpu.vector_store %arg13[%parallel_loop3A_305], %parallel_loop3A_302 {strides = array<i32>} : memref<256xf32, #tpu.memory_space<vmem>>, vector<16xf32>,
      } {sc.loop_unroll_factor = 1 : i64, sc.parallel_access}
      %add3A_204 = arith.addi %add3A_4, %mul3A_106 : i32
      %mul3A_205 = arith.constant 256 : i32
      %mul3A_206 = arith.muli %add3A_204, %mul3A_205 : i32
      %dma_start3A_207 = tpu.memref_slice %arg5[%mul3A_206] : memref<320000xf32, #tpu.memory_space<hbm>> -> memref<256xf32, #tpu.memory_space<hbm>>
      %dma_start3A_208 = tpu.memref_slice %arg5[%mul3A_206] : memref<320000xf32, #tpu.memory_space<hbm>> -> memref<256xf32, #tpu.memory_space<hbm>>
      tpu.enqueue_dma source(%arg13 : memref<256xf32, #tpu.memory_space<vmem>>) target(%dma_start3A_208 : memref<256xf32, #tpu.memory_space<hbm>>) target_semaphore(%arg19 : memref<!tpu.dma_semaphore, #tpu.memory_space<semaphore_mem>>)
      %add3A_209 = arith.constant 2 : i32
      %add3A_210 = arith.addi %mul3A_106, %add3A_209 : i32
      %lt3A_211 = arith.cmpi slt, %add3A_210, %add3A_7 : i32
      %convert_element_type3A_212 = arith.extui %lt3A_211 : i1 to i32
      %cond3A_213 = arith.constant 0 : i32
      %cond3A_214 = arith.cmpi ne, %convert_element_type3A_212, %cond3A_213 : i32
      scf.if %cond3A_214 {
        %add3A_280 = arith.constant 2 : i32
        %add3A_281 = arith.addi %mul3A_106, %add3A_280 : i32
        %add3A_282 = arith.addi %add3A_4, %add3A_281 : i32
        %dma_start3A_283 = arith.constant 0 : i32
        %dma_start3A_284 = arith.constant 0 : i32
        %dma_start3A_285 = tpu.memref_slice %arg3[%add3A_282, %dma_start3A_283, %dma_start3A_284] : memref<1250x3x256xi32, #tpu.memory_space<hbm>> -> memref<1x3x256xi32, #tpu.memory_space<hbm>>
        %dma_start3A_286 = tpu.memref_squeeze %dma_start3A_285 : memref<1x3x256xi32, #tpu.memory_space<hbm>> -> memref<3x256xi32, #tpu.memory_space<hbm>>
        %dma_start3A_287 = arith.constant 0 : i32
        %dma_start3A_288 = arith.constant 0 : i32
        %dma_start3A_289 = tpu.memref_slice %arg3[%add3A_282, %dma_start3A_287, %dma_start3A_288] : memref<1250x3x256xi32, #tpu.memory_space<hbm>> -> memref<1x3x256xi32, #tpu.memory_space<hbm>>
        %dma_start3A_290 = tpu.memref_squeeze %dma_start3A_289 : memref<1x3x256xi32, #tpu.memory_space<hbm>> -> memref<3x256xi32, #tpu.memory_space<hbm>>
        tpu.enqueue_dma source(%dma_start3A_290 : memref<3x256xi32, #tpu.memory_space<hbm>>) target(%arg7 : memref<3x256xi32, #tpu.memory_space<vmem>>) target_semaphore(%arg15 : memref<!tpu.dma_semaphore, #tpu.memory_space<semaphore_mem>>)
      } else {
      }
      %dma_wait3A_215 = arith.constant 0 : i32
      %dma_wait3A_216 = arith.constant 0 : i32
      %dma_wait3A_217 = arith.constant 0 : i32
      %dma_wait3A_218 = tpu.memref_slice %arg10[%dma_wait3A_216, %dma_wait3A_217] : memref<256x64xi32, #tpu.memory_space<vmem>> -> memref<128x64xi32, #tpu.memory_space<vmem>>
      %dma_wait3A_219 = arith.constant 0 : i32
      %dma_wait3A_220 = tpu.memref_slice %arg8[%dma_wait3A_215, %dma_wait3A_219] : memref<3x256xi32, #tpu.memory_space<vmem>> -> memref<1x128xi32, #tpu.memory_space<vmem>>
      %dma_wait3A_221 = tpu.memref_squeeze %dma_wait3A_220 : memref<1x128xi32, #tpu.memory_space<vmem>> -> memref<128xi32, #tpu.memory_space<vmem>>
      %dma_wait3A_222 = arith.constant 0 : i32
      %dma_wait3A_223 = arith.constant 0 : i32
      %dma_wait3A_224 = tpu.memref_slice %arg2[%dma_wait3A_222, %dma_wait3A_223] : memref<10000x64xi32, #tpu.memory_space<hbm>> -> memref<10000x64xi32, #tpu.memory_space<hbm>>
      tpu.wait_indirect_dma semaphore(%arg18 : memref<!tpu.dma_semaphore, #tpu.memory_space<semaphore_mem>>) src(%dma_wait3A_224 : memref<10000x64xi32, #tpu.memory_space<hbm>>) dst(%dma_wait3A_218 : memref<128x64xi32, #tpu.memory_space<vmem>>)
      %dma_wait3A_225 = arith.constant 0 : i32
      %dma_wait3A_226 = arith.constant 128 : i32
      %dma_wait3A_227 = arith.constant 0 : i32
      %dma_wait3A_228 = tpu.memref_slice %arg10[%dma_wait3A_226, %dma_wait3A_227] : memref<256x64xi32, #tpu.memory_space<vmem>> -> memref<128x64xi32, #tpu.memory_space<vmem>>
      %dma_wait3A_229 = arith.constant 128 : i32
      %dma_wait3A_230 = tpu.memref_slice %arg8[%dma_wait3A_225, %dma_wait3A_229] : memref<3x256xi32, #tpu.memory_space<vmem>> -> memref<1x128xi32, #tpu.memory_space<vmem>>
      %dma_wait3A_231 = tpu.memref_squeeze %dma_wait3A_230 : memref<1x128xi32, #tpu.memory_space<vmem>> -> memref<128xi32, #tpu.memory_space<vmem>>
      %dma_wait3A_232 = arith.constant 0 : i32
      %dma_wait3A_233 = arith.constant 0 : i32
      %dma_wait3A_234 = tpu.memref_slice %arg2[%dma_wait3A_232, %dma_wait3A_233] : memref<10000x64xi32, #tpu.memory_space<hbm>> -> memref<10000x64xi32, #tpu.memory_space<hbm>>
      tpu.wait_indirect_dma semaphore(%arg18 : memref<!tpu.dma_semaphore, #tpu.memory_space<semaphore_mem>>) src(%dma_wait3A_234 : memref<10000x64xi32, #tpu.memory_space<hbm>>) dst(%dma_wait3A_228 : memref<128x64xi32, #tpu.memory_space<vmem>>)
      %dma_wait3A_235 = arith.constant 1 : i32
      %dma_wait3A_236 = arith.constant 0 : i32
      %dma_wait3A_237 = arith.constant 0 : i32
      %dma_wait3A_238 = tpu.memref_slice %arg12[%dma_wait3A_236, %dma_wait3A_237] : memref<256x64xi32, #tpu.memory_space<vmem>> -> memref<128x64xi32, #tpu.memory_space<vmem>>
      %dma_wait3A_239 = arith.constant 0 : i32
      %dma_wait3A_240 = tpu.memref_slice %arg8[%dma_wait3A_235, %dma_wait3A_239] : memref<3x256xi32, #tpu.memory_space<vmem>> -> memref<1x128xi32, #tpu.memory_space<vmem>>
      %dma_wait3A_241 = tpu.memref_squeeze %dma_wait3A_240 : memref<1x128xi32, #tpu.memory_space<vmem>> -> memref<128xi32, #tpu.memory_space<vmem>>
      %dma_wait3A_242 = arith.constant 0 : i32
      %dma_wait3A_243 = arith.constant 0 : i32
      %dma_wait3A_244 = tpu.memref_slice %arg2[%dma_wait3A_242, %dma_wait3A_243] : memref<10000x64xi32, #tpu.memory_space<hbm>> -> memref<10000x64xi32, #tpu.memory_space<hbm>>
      tpu.wait_indirect_dma semaphore(%arg18 : memref<!tpu.dma_semaphore, #tpu.memory_space<semaphore_mem>>) src(%dma_wait3A_244 : memref<10000x64xi32, #tpu.memory_space<hbm>>) dst(%dma_wait3A_238 : memref<128x64xi32, #tpu.memory_space<vmem>>)
      %dma_wait3A_245 = arith.constant 1 : i32
      %dma_wait3A_246 = arith.constant 128 : i32
      %dma_wait3A_247 = arith.constant 0 : i32
      %dma_wait3A_248 = tpu.memref_slice %arg12[%dma_wait3A_246, %dma_wait3A_247] : memref<256x64xi32, #tpu.memory_space<vmem>> -> memref<128x64xi32, #tpu.memory_space<vmem>>
      %dma_wait3A_249 = arith.constant 128 : i32
      %dma_wait3A_250 = tpu.memref_slice %arg8[%dma_wait3A_245, %dma_wait3A_249] : memref<3x256xi32, #tpu.memory_space<vmem>> -> memref<1x128xi32, #tpu.memory_space<vmem>>
      %dma_wait3A_251 = tpu.memref_squeeze %dma_wait3A_250 : memref<1x128xi32, #tpu.memory_space<vmem>> -> memref<128xi32, #tpu.memory_space<vmem>>
      %dma_wait3A_252 = arith.constant 0 : i32
      %dma_wait3A_253 = arith.constant 0 : i32
      %dma_wait3A_254 = tpu.memref_slice %arg2[%dma_wait3A_252, %dma_wait3A_253] : memref<10000x64xi32, #tpu.memory_space<hbm>> -> memref<10000x64xi32, #tpu.memory_space<hbm>>
      tpu.wait_indirect_dma semaphore(%arg18 : memref<!tpu.dma_semaphore, #tpu.memory_space<semaphore_mem>>) src(%dma_wait3A_254 : memref<10000x64xi32, #tpu.memory_space<hbm>>) dst(%dma_wait3A_248 : memref<128x64xi32, #tpu.memory_space<vmem>>)
      %add3A_255 = arith.constant 2 : i32
      %add3A_256 = arith.addi %mul3A_106, %add3A_255 : i32
      %lt3A_257 = arith.cmpi slt, %add3A_256, %add3A_7 : i32
      %convert_element_type3A_258 = arith.extui %lt3A_257 : i1 to i32
      %cond3A_259 = arith.constant 0 : i32
      %cond3A_260 = arith.cmpi ne, %convert_element_type3A_258, %cond3A_259 : i32
      scf.if %cond3A_260 {
        %add3A_280 = arith.constant 2 : i32
        %add3A_281 = arith.addi %mul3A_106, %add3A_280 : i32
        %add3A_282 = arith.addi %add3A_4, %add3A_281 : i32
        %dma_wait3A_283 = arith.constant 0 : i32
        %dma_wait3A_284 = arith.constant 0 : i32
        %dma_wait3A_285 = tpu.memref_slice %arg3[%add3A_282, %dma_wait3A_283, %dma_wait3A_284] : memref<1250x3x256xi32, #tpu.memory_space<hbm>> -> memref<1x3x256xi32, #tpu.memory_space<hbm>>
        %dma_wait3A_286 = tpu.memref_squeeze %dma_wait3A_285 : memref<1x3x256xi32, #tpu.memory_space<hbm>> -> memref<3x256xi32, #tpu.memory_space<hbm>>
        %dma_wait3A_287 = arith.constant 0 : i32
        %dma_wait3A_288 = arith.constant 0 : i32
        %dma_wait3A_289 = tpu.memref_slice %arg3[%add3A_282, %dma_wait3A_287, %dma_wait3A_288] : memref<1250x3x256xi32, #tpu.memory_space<hbm>> -> memref<1x3x256xi32, #tpu.memory_space<hbm>>
        %dma_wait3A_290 = tpu.memref_squeeze %dma_wait3A_289 : memref<1x3x256xi32, #tpu.memory_space<hbm>> -> memref<3x256xi32, #tpu.memory_space<hbm>>
        tpu.wait_dma2 semaphore(%arg15 : memref<!tpu.dma_semaphore, #tpu.memory_space<semaphore_mem>>) src(%dma_wait3A_290 : memref<3x256xi32, #tpu.memory_space<hbm>>) dst(%arg7 : memref<3x256xi32, #tpu.memory_space<vmem>>)
        %dma_start3A_291 = arith.constant 0 : i32
        %dma_start3A_292 = arith.constant 0 : i32
        %dma_start3A_293 = arith.constant 0 : i32
        %dma_start3A_294 = tpu.memref_slice %arg9[%dma_start3A_292, %dma_start3A_293] : memref<256x64xi32, #tpu.memory_space<vmem>> -> memref<128x64xi32, #tpu.memory_space<vmem>>
        %dma_start3A_295 = arith.constant 0 : i32
        %dma_start3A_296 = tpu.memref_slice %arg7[%dma_start3A_291, %dma_start3A_295] : memref<3x256xi32, #tpu.memory_space<vmem>> -> memref<1x128xi32, #tpu.memory_space<vmem>>
        %dma_start3A_297 = tpu.memref_squeeze %dma_start3A_296 : memref<1x128xi32, #tpu.memory_space<vmem>> -> memref<128xi32, #tpu.memory_space<vmem>>
        %dma_start3A_298 = arith.constant 0 : i32
        %dma_start3A_299 = arith.constant 0 : i32
        %dma_start3A_300 = tpu.memref_slice %arg2[%dma_start3A_298, %dma_start3A_299] : memref<10000x64xi32, #tpu.memory_space<hbm>> -> memref<10000x64xi32, #tpu.memory_space<hbm>>
        tpu.enqueue_indirect_dma source(%dma_start3A_300 : memref<10000x64xi32, #tpu.memory_space<hbm>>) target(%dma_start3A_294 : memref<128x64xi32, #tpu.memory_space<vmem>>) offsets(%dma_start3A_297 : memref<128xi32, #tpu.memory_space<vmem>>) semaphore(%arg17 : memref<!tpu.dma_semaphore, #tpu.memory_space<semaphore_mem>>)
        %dma_start3A_301 = arith.constant 0 : i32
        %dma_start3A_302 = arith.constant 128 : i32
        %dma_start3A_303 = arith.constant 0 : i32
        %dma_start3A_304 = tpu.memref_slice %arg9[%dma_start3A_302, %dma_start3A_303] : memref<256x64xi32, #tpu.memory_space<vmem>> -> memref<128x64xi32, #tpu.memory_space<vmem>>
        %dma_start3A_305 = arith.constant 128 : i32
        %dma_start3A_306 = tpu.memref_slice %arg7[%dma_start3A_301, %dma_start3A_305] : memref<3x256xi32, #tpu.memory_space<vmem>> -> memref<1x128xi32, #tpu.memory_space<vmem>>
        %dma_start3A_307 = tpu.memref_squeeze %dma_start3A_306 : memref<1x128xi32, #tpu.memory_space<vmem>> -> memref<128xi32, #tpu.memory_space<vmem>>
        %dma_start3A_308 = arith.constant 0 : i32
        %dma_start3A_309 = arith.constant 0 : i32
        %dma_start3A_310 = tpu.memref_slice %arg2[%dma_start3A_308, %dma_start3A_309] : memref<10000x64xi32, #tpu.memory_space<hbm>> -> memref<10000x64xi32, #tpu.memory_space<hbm>>
        tpu.enqueue_indirect_dma source(%dma_start3A_310 : memref<10000x64xi32, #tpu.memory_space<hbm>>) target(%dma_start3A_304 : memref<128x64xi32, #tpu.memory_space<vmem>>) offsets(%dma_start3A_307 : memref<128xi32, #tpu.memory_space<vmem>>) semaphore(%arg17 : memref<!tpu.dma_semaphore, #tpu.memory_space<semaphore_mem>>)
        %dma_start3A_311 = arith.constant 1 : i32
        %dma_start3A_312 = arith.constant 0 : i32
        %dma_start3A_313 = arith.constant 0 : i32
        %dma_start3A_314 = tpu.memref_slice %arg11[%dma_start3A_312, %dma_start3A_313] : memref<256x64xi32, #tpu.memory_space<vmem>> -> memref<128x64xi32, #tpu.memory_space<vmem>>
        %dma_start3A_315 = arith.constant 0 : i32
        %dma_start3A_316 = tpu.memref_slice %arg7[%dma_start3A_311, %dma_start3A_315] : memref<3x256xi32, #tpu.memory_space<vmem>> -> memref<1x128xi32, #tpu.memory_space<vmem>>
        %dma_start3A_317 = tpu.memref_squeeze %dma_start3A_316 : memref<1x128xi32, #tpu.memory_space<vmem>> -> memref<128xi32, #tpu.memory_space<vmem>>
        %dma_start3A_318 = arith.constant 0 : i32
        %dma_start3A_319 = arith.constant 0 : i32
        %dma_start3A_320 = tpu.memref_slice %arg2[%dma_start3A_318, %dma_start3A_319] : memref<10000x64xi32, #tpu.memory_space<hbm>> -> memref<10000x64xi32, #tpu.memory_space<hbm>>
        tpu.enqueue_indirect_dma source(%dma_start3A_320 : memref<10000x64xi32, #tpu.memory_space<hbm>>) target(%dma_start3A_314 : memref<128x64xi32, #tpu.memory_space<vmem>>) offsets(%dma_start3A_317 : memref<128xi32, #tpu.memory_space<vmem>>) semaphore(%arg17 : memref<!tpu.dma_semaphore, #tpu.memory_space<semaphore_mem>>)
        %dma_start3A_321 = arith.constant 1 : i32
        %dma_start3A_322 = arith.constant 128 : i32
        %dma_start3A_323 = arith.constant 0 : i32
        %dma_start3A_324 = tpu.memref_slice %arg11[%dma_start3A_322, %dma_start3A_323] : memref<256x64xi32, #tpu.memory_space<vmem>> -> memref<128x64xi32, #tpu.memory_space<vmem>>
        %dma_start3A_325 = arith.constant 128 : i32
        %dma_start3A_326 = tpu.memref_slice %arg7[%dma_start3A_321, %dma_start3A_325] : memref<3x256xi32, #tpu.memory_space<vmem>> -> memref<1x128xi32, #tpu.memory_space<vmem>>
        %dma_start3A_327 = tpu.memref_squeeze %dma_start3A_326 : memref<1x128xi32, #tpu.memory_space<vmem>> -> memref<128xi32, #tpu.memory_space<vmem>>
        %dma_start3A_328 = arith.constant 0 : i32
        %dma_start3A_329 = arith.constant 0 : i32
        %dma_start3A_330 = tpu.memref_slice %arg2[%dma_start3A_328, %dma_start3A_329] : memref<10000x64xi32, #tpu.memory_space<hbm>> -> memref<10000x64xi32, #tpu.memory_space<hbm>>
        tpu.enqueue_indirect_dma source(%dma_start3A_330 : memref<10000x64xi32, #tpu.memory_space<hbm>>) target(%dma_start3A_324 : memref<128x64xi32, #tpu.memory_space<vmem>>) offsets(%dma_start3A_327 : memref<128xi32, #tpu.memory_space<vmem>>) semaphore(%arg17 : memref<!tpu.dma_semaphore, #tpu.memory_space<semaphore_mem>>)
      } else {
      }
      %ge3A_261 = arith.constant 1 : i32
      %ge3A_262 = arith.cmpi sge, %while3A_104, %ge3A_261 : i32
      %convert_element_type3A_263 = arith.extui %ge3A_262 : i1 to i32
      %cond3A_264 = arith.constant 0 : i32
      %cond3A_265 = arith.cmpi ne, %convert_element_type3A_263, %cond3A_264 : i32
      scf.if %cond3A_265 {
        %sub3A = arith.constant 2 : i32
        %sub3A_280 = arith.subi %add3A_108, %sub3A : i32
        %add3A_281 = arith.addi %add3A_4, %sub3A_280 : i32
        %mul3A_282 = arith.constant 256 : i32
        %mul3A_283 = arith.muli %add3A_281, %mul3A_282 : i32
        %dma_wait3A_284 = tpu.memref_slice %arg5[%mul3A_283] : memref<320000xf32, #tpu.memory_space<hbm>> -> memref<256xf32, #tpu.memory_space<hbm>>
        %dma_wait3A_285 = tpu.memref_slice %arg5[%mul3A_283] : memref<320000xf32, #tpu.memory_space<hbm>> -> memref<256xf32, #tpu.memory_space<hbm>>
        tpu.wait_dma2 semaphore(%arg20 : memref<!tpu.dma_semaphore, #tpu.memory_space<semaphore_mem>>) src(%arg14 : memref<256xf32, #tpu.memory_space<vmem>>) dst(%dma_wait3A_285 : memref<256xf32, #tpu.memory_space<hbm>>)
      } else {
      }
      %parallel_loop3A_266 = arith.constant 0 : i32
      %parallel_loop3A_267 = arith.constant 16 : i32
      %parallel_loop3A_268 = arith.constant 1 : i32
      scf.for %parallel_loop3A_280 = %parallel_loop3A_266 to %parallel_loop3A_267 step %parallel_loop3A_268  : i32 {
        %parallel_loop3A_281 = arith.constant 16 : i32
        %parallel_loop3A_282 = arith.muli %parallel_loop3A_280, %parallel_loop3A_281 : i32
        %parallel_loop3A_283 = vector.broadcast %parallel_loop3A_282 : i32 to vector<16xi32>
        %parallel_loop3A_284 = arith.addi %iota3A, %parallel_loop3A_283 : vector<16xi32>
        %parallel_loop3A_285 = arith.constant 16 : i32
        %parallel_loop3A_286 = arith.muli %parallel_loop3A_280, %parallel_loop3A_285 : i32
        %parallel_loop3A_287 = arith.constant 2 : i32
        %parallel_loop3A_288 = arith.index_cast %parallel_loop3A_287 : i32 to index
        %parallel_loop3A_289 = arith.index_cast %parallel_loop3A_286 : i32 to index
        %parallel_loop3A_290 = tpu.vector_load %arg8[%parallel_loop3A_288, %parallel_loop3A_289] {strides = array<i32>} : memref<3x256xi32, #tpu.memory_space<vmem>>, vector<16xi32>,
        %parallel_loop3A_291 = arith.constant 64 : i32
        %parallel_loop3A_292 = vector.broadcast %parallel_loop3A_291 : i32 to vector<16xi32>
        %parallel_loop3A_293 = arith.muli %parallel_loop3A_290, %parallel_loop3A_292 : vector<16xi32>
        %parallel_loop3A_294 = arith.constant 0.000000e+00 : f32
        %parallel_loop3A_295 = vector.broadcast %parallel_loop3A_294 : f32 to vector<16xf32>
        %parallel_loop3A_296 = arith.constant 0 : i32
        %parallel_loop3A_297 = arith.constant 64 : i32
        %parallel_loop3A_298 = arith.constant 1 : i32
        %parallel_loop3A_299:2 = scf.for %parallel_loop3A_307 = %parallel_loop3A_296 to %parallel_loop3A_297 step %parallel_loop3A_298 iter_args(%parallel_loop3A_308 = %parallel_loop3A_295, %parallel_loop3A_309 = %parallel_loop3A_295) -> (vector<16xf32>, vector<16xf32>)  : i32 {
          %parallel_loop3A_310 = vector.broadcast %parallel_loop3A_307 : i32 to vector<16xi32>
          %parallel_loop3A_311 = arith.addi %iota3A, %parallel_loop3A_310 : vector<16xi32>
          %parallel_loop3A_312 = arith.constant 63 : i32
          %parallel_loop3A_313 = vector.broadcast %parallel_loop3A_312 : i32 to vector<16xi32>
          %parallel_loop3A_314 = arith.andi %parallel_loop3A_311, %parallel_loop3A_313 : vector<16xi32>
          %parallel_loop3A_315 = tpu.vector_load_idx %arg10[%parallel_loop3A_284, %parallel_loop3A_314] : memref<256x64xi32, #tpu.memory_space<vmem>>[vector<16xi32>, vector<16xi32>], vector<16xi32>,
          %parallel_loop3A_316 = tpu.vector_load_idx %arg12[%parallel_loop3A_284, %parallel_loop3A_314] : memref<256x64xi32, #tpu.memory_space<vmem>>[vector<16xi32>, vector<16xi32>], vector<16xi32>,
          %parallel_loop3A_317 = arith.addi %parallel_loop3A_293, %parallel_loop3A_314 : vector<16xi32>
          %parallel_loop3A_318 = tpu.vector_load_idx %arg6[%parallel_loop3A_317] : memref<1024xi32, #tpu.memory_space<vmem>>[vector<16xi32>], vector<16xi32>,
          %parallel_loop3A_319 = vector.bitcast %parallel_loop3A_315 : vector<16xi32> to vector<32xbf16>
          %parallel_loop3A_320 = vector.bitcast %parallel_loop3A_316 : vector<16xi32> to vector<32xbf16>
          %parallel_loop3A_321 = vector.bitcast %parallel_loop3A_318 : vector<16xi32> to vector<32xbf16>
          %parallel_loop3A_322 = arith.mulf %parallel_loop3A_319, %parallel_loop3A_320 : vector<32xbf16>
          %parallel_loop3A_323 = arith.mulf %parallel_loop3A_322, %parallel_loop3A_321 : vector<32xbf16>
          %parallel_loop3A_324 = tpu.unpack_subelements %parallel_loop3A_323, 0 {pack_format = #tpu.pack_format<interleaved>} : vector<32xbf16> -> vector<16xf32>
          %parallel_loop3A_325 = tpu.unpack_subelements %parallel_loop3A_323, 1 {pack_format = #tpu.pack_format<interleaved>} : vector<32xbf16> -> vector<16xf32>
          %parallel_loop3A_326 = arith.addf %parallel_loop3A_308, %parallel_loop3A_324 : vector<16xf32>
          %parallel_loop3A_327 = arith.addf %parallel_loop3A_309, %parallel_loop3A_325 : vector<16xf32>
          scf.yield %parallel_loop3A_326, %parallel_loop3A_327 : vector<16xf32>, vector<16xf32>
        } {sc.loop_unroll_factor = 8 : i64, sc.parallel_access}
        %parallel_loop3A_300 = arith.addf %parallel_loop3A_299#0, %parallel_loop3A_299#1 : vector<16xf32>
        %parallel_loop3A_301 = vector.broadcast %while3A_77 : f32 to vector<16xf32>
        %parallel_loop3A_302 = arith.mulf %parallel_loop3A_300, %parallel_loop3A_301 : vector<16xf32>
        %parallel_loop3A_303 = arith.constant 16 : i32
        %parallel_loop3A_304 = arith.muli %parallel_loop3A_280, %parallel_loop3A_303 : i32
        %parallel_loop3A_305 = arith.index_cast %parallel_loop3A_304 : i32 to index
        %parallel_loop3A_306 = tpu.vector_load %arg14[%parallel_loop3A_305] {strides = array<i32>} : memref<256xf32, #tpu.memory_space<vmem>>, vector<16xf32>,
        tpu.vector_store %arg14[%parallel_loop3A_305], %parallel_loop3A_302 {strides = array<i32>} : memref<256xf32, #tpu.memory_space<vmem>>, vector<16xf32>,
      } {sc.loop_unroll_factor = 1 : i64, sc.parallel_access}
      %add3A_269 = arith.addi %add3A_4, %add3A_108 : i32
      %mul3A_270 = arith.constant 256 : i32
      %mul3A_271 = arith.muli %add3A_269, %mul3A_270 : i32
      %dma_start3A_272 = tpu.memref_slice %arg5[%mul3A_271] : memref<320000xf32, #tpu.memory_space<hbm>> -> memref<256xf32, #tpu.memory_space<hbm>>
      %dma_start3A_273 = tpu.memref_slice %arg5[%mul3A_271] : memref<320000xf32, #tpu.memory_space<hbm>> -> memref<256xf32, #tpu.memory_space<hbm>>
      tpu.enqueue_dma source(%arg14 : memref<256xf32, #tpu.memory_space<vmem>>) target(%dma_start3A_273 : memref<256xf32, #tpu.memory_space<hbm>>) target_semaphore(%arg20 : memref<!tpu.dma_semaphore, #tpu.memory_space<semaphore_mem>>)
      %add3A_274 = arith.constant 2 : i32
      %add3A_275 = arith.addi %add3A_108, %add3A_274 : i32
      %lt3A_276 = arith.cmpi slt, %add3A_275, %add3A_7 : i32
      %convert_element_type3A_277 = arith.extui %lt3A_276 : i1 to i32
      %cond3A_278 = arith.constant 0 : i32
      %cond3A_279 = arith.cmpi ne, %convert_element_type3A_277, %cond3A_278 : i32
      scf.if %cond3A_279 {
        %add3A_280 = arith.constant 2 : i32
        %add3A_281 = arith.addi %add3A_108, %add3A_280 : i32
        %add3A_282 = arith.addi %add3A_4, %add3A_281 : i32
        %dma_start3A_283 = arith.constant 0 : i32
        %dma_start3A_284 = arith.constant 0 : i32
        %dma_start3A_285 = tpu.memref_slice %arg3[%add3A_282, %dma_start3A_283, %dma_start3A_284] : memref<1250x3x256xi32, #tpu.memory_space<hbm>> -> memref<1x3x256xi32, #tpu.memory_space<hbm>>
        %dma_start3A_286 = tpu.memref_squeeze %dma_start3A_285 : memref<1x3x256xi32, #tpu.memory_space<hbm>> -> memref<3x256xi32, #tpu.memory_space<hbm>>
        %dma_start3A_287 = arith.constant 0 : i32
        %dma_start3A_288 = arith.constant 0 : i32
        %dma_start3A_289 = tpu.memref_slice %arg3[%add3A_282, %dma_start3A_287, %dma_start3A_288] : memref<1250x3x256xi32, #tpu.memory_space<hbm>> -> memref<1x3x256xi32, #tpu.memory_space<hbm>>
        %dma_start3A_290 = tpu.memref_squeeze %dma_start3A_289 : memref<1x3x256xi32, #tpu.memory_space<hbm>> -> memref<3x256xi32, #tpu.memory_space<hbm>>
        tpu.enqueue_dma source(%dma_start3A_290 : memref<3x256xi32, #tpu.memory_space<hbm>>) target(%arg8 : memref<3x256xi32, #tpu.memory_space<vmem>>) target_semaphore(%arg16 : memref<!tpu.dma_semaphore, #tpu.memory_space<semaphore_mem>>)
      } else {
      }
    }
    %while3A_86 = arith.constant 1 : i32
    scf.for %while3A_104 = %while3A_84 to %while3A_80 step %while3A_86  : i32 {
      %mul3A_105 = arith.constant 2 : i32
      %mul3A_106 = arith.muli %mul3A_105, %while3A_104 : i32
      %add3A_107 = arith.constant 1 : i32
      %add3A_108 = arith.addi %mul3A_106, %add3A_107 : i32
      %dma_wait3A_109 = arith.constant 0 : i32
      %dma_wait3A_110 = arith.constant 0 : i32
      %dma_wait3A_111 = arith.constant 0 : i32
      %dma_wait3A_112 = tpu.memref_slice %arg9[%dma_wait3A_110, %dma_wait3A_111] : memref<256x64xi32, #tpu.memory_space<vmem>> -> memref<128x64xi32, #tpu.memory_space<vmem>>
      %dma_wait3A_113 = arith.constant 0 : i32
      %dma_wait3A_114 = tpu.memref_slice %arg7[%dma_wait3A_109, %dma_wait3A_113] : memref<3x256xi32, #tpu.memory_space<vmem>> -> memref<1x128xi32, #tpu.memory_space<vmem>>
      %dma_wait3A_115 = tpu.memref_squeeze %dma_wait3A_114 : memref<1x128xi32, #tpu.memory_space<vmem>> -> memref<128xi32, #tpu.memory_space<vmem>>
      %dma_wait3A_116 = arith.constant 0 : i32
      %dma_wait3A_117 = arith.constant 0 : i32
      %dma_wait3A_118 = tpu.memref_slice %arg2[%dma_wait3A_116, %dma_wait3A_117] : memref<10000x64xi32, #tpu.memory_space<hbm>> -> memref<10000x64xi32, #tpu.memory_space<hbm>>
      tpu.wait_indirect_dma semaphore(%arg17 : memref<!tpu.dma_semaphore, #tpu.memory_space<semaphore_mem>>) src(%dma_wait3A_118 : memref<10000x64xi32, #tpu.memory_space<hbm>>) dst(%dma_wait3A_112 : memref<128x64xi32, #tpu.memory_space<vmem>>)
      %dma_wait3A_119 = arith.constant 0 : i32
      %dma_wait3A_120 = arith.constant 128 : i32
      %dma_wait3A_121 = arith.constant 0 : i32
      %dma_wait3A_122 = tpu.memref_slice %arg9[%dma_wait3A_120, %dma_wait3A_121] : memref<256x64xi32, #tpu.memory_space<vmem>> -> memref<128x64xi32, #tpu.memory_space<vmem>>
      %dma_wait3A_123 = arith.constant 128 : i32
      %dma_wait3A_124 = tpu.memref_slice %arg7[%dma_wait3A_119, %dma_wait3A_123] : memref<3x256xi32, #tpu.memory_space<vmem>> -> memref<1x128xi32, #tpu.memory_space<vmem>>
      %dma_wait3A_125 = tpu.memref_squeeze %dma_wait3A_124 : memref<1x128xi32, #tpu.memory_space<vmem>> -> memref<128xi32, #tpu.memory_space<vmem>>
      %dma_wait3A_126 = arith.constant 0 : i32
      %dma_wait3A_127 = arith.constant 0 : i32
      %dma_wait3A_128 = tpu.memref_slice %arg2[%dma_wait3A_126, %dma_wait3A_127] : memref<10000x64xi32, #tpu.memory_space<hbm>> -> memref<10000x64xi32, #tpu.memory_space<hbm>>
      tpu.wait_indirect_dma semaphore(%arg17 : memref<!tpu.dma_semaphore, #tpu.memory_space<semaphore_mem>>) src(%dma_wait3A_128 : memref<10000x64xi32, #tpu.memory_space<hbm>>) dst(%dma_wait3A_122 : memref<128x64xi32, #tpu.memory_space<vmem>>)
      %dma_wait3A_129 = arith.constant 1 : i32
      %dma_wait3A_130 = arith.constant 0 : i32
      %dma_wait3A_131 = arith.constant 0 : i32
      %dma_wait3A_132 = tpu.memref_slice %arg11[%dma_wait3A_130, %dma_wait3A_131] : memref<256x64xi32, #tpu.memory_space<vmem>> -> memref<128x64xi32, #tpu.memory_space<vmem>>
      %dma_wait3A_133 = arith.constant 0 : i32
      %dma_wait3A_134 = tpu.memref_slice %arg7[%dma_wait3A_129, %dma_wait3A_133] : memref<3x256xi32, #tpu.memory_space<vmem>> -> memref<1x128xi32, #tpu.memory_space<vmem>>
      %dma_wait3A_135 = tpu.memref_squeeze %dma_wait3A_134 : memref<1x128xi32, #tpu.memory_space<vmem>> -> memref<128xi32, #tpu.memory_space<vmem>>
      %dma_wait3A_136 = arith.constant 0 : i32
      %dma_wait3A_137 = arith.constant 0 : i32
      %dma_wait3A_138 = tpu.memref_slice %arg2[%dma_wait3A_136, %dma_wait3A_137] : memref<10000x64xi32, #tpu.memory_space<hbm>> -> memref<10000x64xi32, #tpu.memory_space<hbm>>
      tpu.wait_indirect_dma semaphore(%arg17 : memref<!tpu.dma_semaphore, #tpu.memory_space<semaphore_mem>>) src(%dma_wait3A_138 : memref<10000x64xi32, #tpu.memory_space<hbm>>) dst(%dma_wait3A_132 : memref<128x64xi32, #tpu.memory_space<vmem>>)
      %dma_wait3A_139 = arith.constant 1 : i32
      %dma_wait3A_140 = arith.constant 128 : i32
      %dma_wait3A_141 = arith.constant 0 : i32
      %dma_wait3A_142 = tpu.memref_slice %arg11[%dma_wait3A_140, %dma_wait3A_141] : memref<256x64xi32, #tpu.memory_space<vmem>> -> memref<128x64xi32, #tpu.memory_space<vmem>>
      %dma_wait3A_143 = arith.constant 128 : i32
      %dma_wait3A_144 = tpu.memref_slice %arg7[%dma_wait3A_139, %dma_wait3A_143] : memref<3x256xi32, #tpu.memory_space<vmem>> -> memref<1x128xi32, #tpu.memory_space<vmem>>
      %dma_wait3A_145 = tpu.memref_squeeze %dma_wait3A_144 : memref<1x128xi32, #tpu.memory_space<vmem>> -> memref<128xi32, #tpu.memory_space<vmem>>
      %dma_wait3A_146 = arith.constant 0 : i32
      %dma_wait3A_147 = arith.constant 0 : i32
      %dma_wait3A_148 = tpu.memref_slice %arg2[%dma_wait3A_146, %dma_wait3A_147] : memref<10000x64xi32, #tpu.memory_space<hbm>> -> memref<10000x64xi32, #tpu.memory_space<hbm>>
      tpu.wait_indirect_dma semaphore(%arg17 : memref<!tpu.dma_semaphore, #tpu.memory_space<semaphore_mem>>) src(%dma_wait3A_148 : memref<10000x64xi32, #tpu.memory_space<hbm>>) dst(%dma_wait3A_142 : memref<128x64xi32, #tpu.memory_space<vmem>>)
      %add3A_149 = arith.addi %add3A_4, %add3A_108 : i32
      %dma_wait3A_150 = arith.constant 0 : i32
      %dma_wait3A_151 = arith.constant 0 : i32
      %dma_wait3A_152 = tpu.memref_slice %arg3[%add3A_149, %dma_wait3A_150, %dma_wait3A_151] : memref<1250x3x256xi32, #tpu.memory_space<hbm>> -> memref<1x3x256xi32, #tpu.memory_space<hbm>>
      %dma_wait3A_153 = tpu.memref_squeeze %dma_wait3A_152 : memref<1x3x256xi32, #tpu.memory_space<hbm>> -> memref<3x256xi32, #tpu.memory_space<hbm>>
      %dma_wait3A_154 = arith.constant 0 : i32
      %dma_wait3A_155 = arith.constant 0 : i32
      %dma_wait3A_156 = tpu.memref_slice %arg3[%add3A_149, %dma_wait3A_154, %dma_wait3A_155] : memref<1250x3x256xi32, #tpu.memory_space<hbm>> -> memref<1x3x256xi32, #tpu.memory_space<hbm>>
      %dma_wait3A_157 = tpu.memref_squeeze %dma_wait3A_156 : memref<1x3x256xi32, #tpu.memory_space<hbm>> -> memref<3x256xi32, #tpu.memory_space<hbm>>
      tpu.wait_dma2 semaphore(%arg16 : memref<!tpu.dma_semaphore, #tpu.memory_space<semaphore_mem>>) src(%dma_wait3A_157 : memref<3x256xi32, #tpu.memory_space<hbm>>) dst(%arg8 : memref<3x256xi32, #tpu.memory_space<vmem>>)
      %dma_start3A_158 = arith.constant 0 : i32
      %dma_start3A_159 = arith.constant 0 : i32
      %dma_start3A_160 = arith.constant 0 : i32
      %dma_start3A_161 = tpu.memref_slice %arg10[%dma_start3A_159, %dma_start3A_160] : memref<256x64xi32, #tpu.memory_space<vmem>> -> memref<128x64xi32, #tpu.memory_space<vmem>>
      %dma_start3A_162 = arith.constant 0 : i32
      %dma_start3A_163 = tpu.memref_slice %arg8[%dma_start3A_158, %dma_start3A_162] : memref<3x256xi32, #tpu.memory_space<vmem>> -> memref<1x128xi32, #tpu.memory_space<vmem>>
      %dma_start3A_164 = tpu.memref_squeeze %dma_start3A_163 : memref<1x128xi32, #tpu.memory_space<vmem>> -> memref<128xi32, #tpu.memory_space<vmem>>
      %dma_start3A_165 = arith.constant 0 : i32
      %dma_start3A_166 = arith.constant 0 : i32
      %dma_start3A_167 = tpu.memref_slice %arg2[%dma_start3A_165, %dma_start3A_166] : memref<10000x64xi32, #tpu.memory_space<hbm>> -> memref<10000x64xi32, #tpu.memory_space<hbm>>
      tpu.enqueue_indirect_dma source(%dma_start3A_167 : memref<10000x64xi32, #tpu.memory_space<hbm>>) target(%dma_start3A_161 : memref<128x64xi32, #tpu.memory_space<vmem>>) offsets(%dma_start3A_164 : memref<128xi32, #tpu.memory_space<vmem>>) semaphore(%arg18 : memref<!tpu.dma_semaphore, #tpu.memory_space<semaphore_mem>>)
      %dma_start3A_168 = arith.constant 0 : i32
      %dma_start3A_169 = arith.constant 128 : i32
      %dma_start3A_170 = arith.constant 0 : i32
      %dma_start3A_171 = tpu.memref_slice %arg10[%dma_start3A_169, %dma_start3A_170] : memref<256x64xi32, #tpu.memory_space<vmem>> -> memref<128x64xi32, #tpu.memory_space<vmem>>
      %dma_start3A_172 = arith.constant 128 : i32
      %dma_start3A_173 = tpu.memref_slice %arg8[%dma_start3A_168, %dma_start3A_172] : memref<3x256xi32, #tpu.memory_space<vmem>> -> memref<1x128xi32, #tpu.memory_space<vmem>>
      %dma_start3A_174 = tpu.memref_squeeze %dma_start3A_173 : memref<1x128xi32, #tpu.memory_space<vmem>> -> memref<128xi32, #tpu.memory_space<vmem>>
      %dma_start3A_175 = arith.constant 0 : i32
      %dma_start3A_176 = arith.constant 0 : i32
      %dma_start3A_177 = tpu.memref_slice %arg2[%dma_start3A_175, %dma_start3A_176] : memref<10000x64xi32, #tpu.memory_space<hbm>> -> memref<10000x64xi32, #tpu.memory_space<hbm>>
      tpu.enqueue_indirect_dma source(%dma_start3A_177 : memref<10000x64xi32, #tpu.memory_space<hbm>>) target(%dma_start3A_171 : memref<128x64xi32, #tpu.memory_space<vmem>>) offsets(%dma_start3A_174 : memref<128xi32, #tpu.memory_space<vmem>>) semaphore(%arg18 : memref<!tpu.dma_semaphore, #tpu.memory_space<semaphore_mem>>)
      %dma_start3A_178 = arith.constant 1 : i32
      %dma_start3A_179 = arith.constant 0 : i32
      %dma_start3A_180 = arith.constant 0 : i32
      %dma_start3A_181 = tpu.memref_slice %arg12[%dma_start3A_179, %dma_start3A_180] : memref<256x64xi32, #tpu.memory_space<vmem>> -> memref<128x64xi32, #tpu.memory_space<vmem>>
      %dma_start3A_182 = arith.constant 0 : i32
      %dma_start3A_183 = tpu.memref_slice %arg8[%dma_start3A_178, %dma_start3A_182] : memref<3x256xi32, #tpu.memory_space<vmem>> -> memref<1x128xi32, #tpu.memory_space<vmem>>
      %dma_start3A_184 = tpu.memref_squeeze %dma_start3A_183 : memref<1x128xi32, #tpu.memory_space<vmem>> -> memref<128xi32, #tpu.memory_space<vmem>>
      %dma_start3A_185 = arith.constant 0 : i32
      %dma_start3A_186 = arith.constant 0 : i32
      %dma_start3A_187 = tpu.memref_slice %arg2[%dma_start3A_185, %dma_start3A_186] : memref<10000x64xi32, #tpu.memory_space<hbm>> -> memref<10000x64xi32, #tpu.memory_space<hbm>>
      tpu.enqueue_indirect_dma source(%dma_start3A_187 : memref<10000x64xi32, #tpu.memory_space<hbm>>) target(%dma_start3A_181 : memref<128x64xi32, #tpu.memory_space<vmem>>) offsets(%dma_start3A_184 : memref<128xi32, #tpu.memory_space<vmem>>) semaphore(%arg18 : memref<!tpu.dma_semaphore, #tpu.memory_space<semaphore_mem>>)
      %dma_start3A_188 = arith.constant 1 : i32
      %dma_start3A_189 = arith.constant 128 : i32
      %dma_start3A_190 = arith.constant 0 : i32
      %dma_start3A_191 = tpu.memref_slice %arg12[%dma_start3A_189, %dma_start3A_190] : memref<256x64xi32, #tpu.memory_space<vmem>> -> memref<128x64xi32, #tpu.memory_space<vmem>>
      %dma_start3A_192 = arith.constant 128 : i32
      %dma_start3A_193 = tpu.memref_slice %arg8[%dma_start3A_188, %dma_start3A_192] : memref<3x256xi32, #tpu.memory_space<vmem>> -> memref<1x128xi32, #tpu.memory_space<vmem>>
      %dma_start3A_194 = tpu.memref_squeeze %dma_start3A_193 : memref<1x128xi32, #tpu.memory_space<vmem>> -> memref<128xi32, #tpu.memory_space<vmem>>
      %dma_start3A_195 = arith.constant 0 : i32
      %dma_start3A_196 = arith.constant 0 : i32
      %dma_start3A_197 = tpu.memref_slice %arg2[%dma_start3A_195, %dma_start3A_196] : memref<10000x64xi32, #tpu.memory_space<hbm>> -> memref<10000x64xi32, #tpu.memory_space<hbm>>
      tpu.enqueue_indirect_dma source(%dma_start3A_197 : memref<10000x64xi32, #tpu.memory_space<hbm>>) target(%dma_start3A_191 : memref<128x64xi32, #tpu.memory_space<vmem>>) offsets(%dma_start3A_194 : memref<128xi32, #tpu.memory_space<vmem>>) semaphore(%arg18 : memref<!tpu.dma_semaphore, #tpu.memory_space<semaphore_mem>>)
      %ge3A = arith.constant 1 : i32
      %ge3A_198 = arith.cmpi sge, %while3A_104, %ge3A : i32
      %convert_element_type3A_199 = arith.extui %ge3A_198 : i1 to i32
      %cond3A_200 = arith.constant 0 : i32
      %cond3A_201 = arith.cmpi ne, %convert_element_type3A_199, %cond3A_200 : i32
      scf.if %cond3A_201 {
        %sub3A = arith.constant 2 : i32
        %sub3A_280 = arith.subi %mul3A_106, %sub3A : i32
        %add3A_281 = arith.addi %add3A_4, %sub3A_280 : i32
        %mul3A_282 = arith.constant 256 : i32
        %mul3A_283 = arith.muli %add3A_281, %mul3A_282 : i32
        %dma_wait3A_284 = tpu.memref_slice %arg5[%mul3A_283] : memref<320000xf32, #tpu.memory_space<hbm>> -> memref<256xf32, #tpu.memory_space<hbm>>
        %dma_wait3A_285 = tpu.memref_slice %arg5[%mul3A_283] : memref<320000xf32, #tpu.memory_space<hbm>> -> memref<256xf32, #tpu.memory_space<hbm>>
        tpu.wait_dma2 semaphore(%arg19 : memref<!tpu.dma_semaphore, #tpu.memory_space<semaphore_mem>>) src(%arg13 : memref<256xf32, #tpu.memory_space<vmem>>) dst(%dma_wait3A_285 : memref<256xf32, #tpu.memory_space<hbm>>)
      } else {
      }
      %parallel_loop3A = arith.constant 0 : i32
      %parallel_loop3A_202 = arith.constant 16 : i32
      %parallel_loop3A_203 = arith.constant 1 : i32
      scf.for %parallel_loop3A_280 = %parallel_loop3A to %parallel_loop3A_202 step %parallel_loop3A_203  : i32 {
        %parallel_loop3A_281 = arith.constant 16 : i32
        %parallel_loop3A_282 = arith.muli %parallel_loop3A_280, %parallel_loop3A_281 : i32
        %parallel_loop3A_283 = vector.broadcast %parallel_loop3A_282 : i32 to vector<16xi32>
        %parallel_loop3A_284 = arith.addi %iota3A, %parallel_loop3A_283 : vector<16xi32>
        %parallel_loop3A_285 = arith.constant 16 : i32
        %parallel_loop3A_286 = arith.muli %parallel_loop3A_280, %parallel_loop3A_285 : i32
        %parallel_loop3A_287 = arith.constant 2 : i32
        %parallel_loop3A_288 = arith.index_cast %parallel_loop3A_287 : i32 to index
        %parallel_loop3A_289 = arith.index_cast %parallel_loop3A_286 : i32 to index
        %parallel_loop3A_290 = tpu.vector_load %arg7[%parallel_loop3A_288, %parallel_loop3A_289] {strides = array<i32>} : memref<3x256xi32, #tpu.memory_space<vmem>>, vector<16xi32>,
        %parallel_loop3A_291 = arith.constant 64 : i32
        %parallel_loop3A_292 = vector.broadcast %parallel_loop3A_291 : i32 to vector<16xi32>
        %parallel_loop3A_293 = arith.muli %parallel_loop3A_290, %parallel_loop3A_292 : vector<16xi32>
        %parallel_loop3A_294 = arith.constant 0.000000e+00 : f32
        %parallel_loop3A_295 = vector.broadcast %parallel_loop3A_294 : f32 to vector<16xf32>
        %parallel_loop3A_296 = arith.constant 0 : i32
        %parallel_loop3A_297 = arith.constant 64 : i32
        %parallel_loop3A_298 = arith.constant 1 : i32
        %parallel_loop3A_299:2 = scf.for %parallel_loop3A_307 = %parallel_loop3A_296 to %parallel_loop3A_297 step %parallel_loop3A_298 iter_args(%parallel_loop3A_308 = %parallel_loop3A_295, %parallel_loop3A_309 = %parallel_loop3A_295) -> (vector<16xf32>, vector<16xf32>)  : i32 {
          %parallel_loop3A_310 = vector.broadcast %parallel_loop3A_307 : i32 to vector<16xi32>
          %parallel_loop3A_311 = arith.addi %iota3A, %parallel_loop3A_310 : vector<16xi32>
          %parallel_loop3A_312 = arith.constant 63 : i32
          %parallel_loop3A_313 = vector.broadcast %parallel_loop3A_312 : i32 to vector<16xi32>
          %parallel_loop3A_314 = arith.andi %parallel_loop3A_311, %parallel_loop3A_313 : vector<16xi32>
          %parallel_loop3A_315 = tpu.vector_load_idx %arg9[%parallel_loop3A_284, %parallel_loop3A_314] : memref<256x64xi32, #tpu.memory_space<vmem>>[vector<16xi32>, vector<16xi32>], vector<16xi32>,
          %parallel_loop3A_316 = tpu.vector_load_idx %arg11[%parallel_loop3A_284, %parallel_loop3A_314] : memref<256x64xi32, #tpu.memory_space<vmem>>[vector<16xi32>, vector<16xi32>], vector<16xi32>,
          %parallel_loop3A_317 = arith.addi %parallel_loop3A_293, %parallel_loop3A_314 : vector<16xi32>
          %parallel_loop3A_318 = tpu.vector_load_idx %arg6[%parallel_loop3A_317] : memref<1024xi32, #tpu.memory_space<vmem>>[vector<16xi32>], vector<16xi32>,
          %parallel_loop3A_319 = vector.bitcast %parallel_loop3A_315 : vector<16xi32> to vector<32xbf16>
          %parallel_loop3A_320 = vector.bitcast %parallel_loop3A_316 : vector<16xi32> to vector<32xbf16>
          %parallel_loop3A_321 = vector.bitcast %parallel_loop3A_318 : vector<16xi32> to vector<32xbf16>
          %parallel_loop3A_322 = arith.mulf %parallel_loop3A_319, %parallel_loop3A_320 : vector<32xbf16>
          %parallel_loop3A_323 = arith.mulf %parallel_loop3A_322, %parallel_loop3A_321 : vector<32xbf16>
          %parallel_loop3A_324 = tpu.unpack_subelements %parallel_loop3A_323, 0 {pack_format = #tpu.pack_format<interleaved>} : vector<32xbf16> -> vector<16xf32>
          %parallel_loop3A_325 = tpu.unpack_subelements %parallel_loop3A_323, 1 {pack_format = #tpu.pack_format<interleaved>} : vector<32xbf16> -> vector<16xf32>
          %parallel_loop3A_326 = arith.addf %parallel_loop3A_308, %parallel_loop3A_324 : vector<16xf32>
          %parallel_loop3A_327 = arith.addf %parallel_loop3A_309, %parallel_loop3A_325 : vector<16xf32>
          scf.yield %parallel_loop3A_326, %parallel_loop3A_327 : vector<16xf32>, vector<16xf32>
        } {sc.loop_unroll_factor = 8 : i64, sc.parallel_access}
        %parallel_loop3A_300 = arith.addf %parallel_loop3A_299#0, %parallel_loop3A_299#1 : vector<16xf32>
        %parallel_loop3A_301 = vector.broadcast %while3A_77 : f32 to vector<16xf32>
        %parallel_loop3A_302 = arith.mulf %parallel_loop3A_300, %parallel_loop3A_301 : vector<16xf32>
        %parallel_loop3A_303 = arith.constant 16 : i32
        %parallel_loop3A_304 = arith.muli %parallel_loop3A_280, %parallel_loop3A_303 : i32
        %parallel_loop3A_305 = arith.index_cast %parallel_loop3A_304 : i32 to index
        %parallel_loop3A_306 = tpu.vector_load %arg13[%parallel_loop3A_305] {strides = array<i32>} : memref<256xf32, #tpu.memory_space<vmem>>, vector<16xf32>,
        tpu.vector_store %arg13[%parallel_loop3A_305], %parallel_loop3A_302 {strides = array<i32>} : memref<256xf32, #tpu.memory_space<vmem>>, vector<16xf32>,
      } {sc.loop_unroll_factor = 1 : i64, sc.parallel_access}
      %add3A_204 = arith.addi %add3A_4, %mul3A_106 : i32
      %mul3A_205 = arith.constant 256 : i32
      %mul3A_206 = arith.muli %add3A_204, %mul3A_205 : i32
      %dma_start3A_207 = tpu.memref_slice %arg5[%mul3A_206] : memref<320000xf32, #tpu.memory_space<hbm>> -> memref<256xf32, #tpu.memory_space<hbm>>
      %dma_start3A_208 = tpu.memref_slice %arg5[%mul3A_206] : memref<320000xf32, #tpu.memory_space<hbm>> -> memref<256xf32, #tpu.memory_space<hbm>>
      tpu.enqueue_dma source(%arg13 : memref<256xf32, #tpu.memory_space<vmem>>) target(%dma_start3A_208 : memref<256xf32, #tpu.memory_space<hbm>>) target_semaphore(%arg19 : memref<!tpu.dma_semaphore, #tpu.memory_space<semaphore_mem>>)
      %add3A_209 = arith.constant 2 : i32
      %add3A_210 = arith.addi %mul3A_106, %add3A_209 : i32
      %lt3A_211 = arith.cmpi slt, %add3A_210, %add3A_7 : i32
      %convert_element_type3A_212 = arith.extui %lt3A_211 : i1 to i32
      %cond3A_213 = arith.constant 0 : i32
      %cond3A_214 = arith.cmpi ne, %convert_element_type3A_212, %cond3A_213 : i32
      scf.if %cond3A_214 {
        %add3A_280 = arith.constant 2 : i32
        %add3A_281 = arith.addi %mul3A_106, %add3A_280 : i32
        %add3A_282 = arith.addi %add3A_4, %add3A_281 : i32
        %dma_start3A_283 = arith.constant 0 : i32
        %dma_start3A_284 = arith.constant 0 : i32
        %dma_start3A_285 = tpu.memref_slice %arg3[%add3A_282, %dma_start3A_283, %dma_start3A_284] : memref<1250x3x256xi32, #tpu.memory_space<hbm>> -> memref<1x3x256xi32, #tpu.memory_space<hbm>>
        %dma_start3A_286 = tpu.memref_squeeze %dma_start3A_285 : memref<1x3x256xi32, #tpu.memory_space<hbm>> -> memref<3x256xi32, #tpu.memory_space<hbm>>
        %dma_start3A_287 = arith.constant 0 : i32
        %dma_start3A_288 = arith.constant 0 : i32
        %dma_start3A_289 = tpu.memref_slice %arg3[%add3A_282, %dma_start3A_287, %dma_start3A_288] : memref<1250x3x256xi32, #tpu.memory_space<hbm>> -> memref<1x3x256xi32, #tpu.memory_space<hbm>>
        %dma_start3A_290 = tpu.memref_squeeze %dma_start3A_289 : memref<1x3x256xi32, #tpu.memory_space<hbm>> -> memref<3x256xi32, #tpu.memory_space<hbm>>
        tpu.enqueue_dma source(%dma_start3A_290 : memref<3x256xi32, #tpu.memory_space<hbm>>) target(%arg7 : memref<3x256xi32, #tpu.memory_space<vmem>>) target_semaphore(%arg15 : memref<!tpu.dma_semaphore, #tpu.memory_space<semaphore_mem>>)
      } else {
      }
      %dma_wait3A_215 = arith.constant 0 : i32
      %dma_wait3A_216 = arith.constant 0 : i32
      %dma_wait3A_217 = arith.constant 0 : i32
      %dma_wait3A_218 = tpu.memref_slice %arg10[%dma_wait3A_216, %dma_wait3A_217] : memref<256x64xi32, #tpu.memory_space<vmem>> -> memref<128x64xi32, #tpu.memory_space<vmem>>
      %dma_wait3A_219 = arith.constant 0 : i32
      %dma_wait3A_220 = tpu.memref_slice %arg8[%dma_wait3A_215, %dma_wait3A_219] : memref<3x256xi32, #tpu.memory_space<vmem>> -> memref<1x128xi32, #tpu.memory_space<vmem>>
      %dma_wait3A_221 = tpu.memref_squeeze %dma_wait3A_220 : memref<1x128xi32, #tpu.memory_space<vmem>> -> memref<128xi32, #tpu.memory_space<vmem>>
      %dma_wait3A_222 = arith.constant 0 : i32
      %dma_wait3A_223 = arith.constant 0 : i32
      %dma_wait3A_224 = tpu.memref_slice %arg2[%dma_wait3A_222, %dma_wait3A_223] : memref<10000x64xi32, #tpu.memory_space<hbm>> -> memref<10000x64xi32, #tpu.memory_space<hbm>>
      tpu.wait_indirect_dma semaphore(%arg18 : memref<!tpu.dma_semaphore, #tpu.memory_space<semaphore_mem>>) src(%dma_wait3A_224 : memref<10000x64xi32, #tpu.memory_space<hbm>>) dst(%dma_wait3A_218 : memref<128x64xi32, #tpu.memory_space<vmem>>)
      %dma_wait3A_225 = arith.constant 0 : i32
      %dma_wait3A_226 = arith.constant 128 : i32
      %dma_wait3A_227 = arith.constant 0 : i32
      %dma_wait3A_228 = tpu.memref_slice %arg10[%dma_wait3A_226, %dma_wait3A_227] : memref<256x64xi32, #tpu.memory_space<vmem>> -> memref<128x64xi32, #tpu.memory_space<vmem>>
      %dma_wait3A_229 = arith.constant 128 : i32
      %dma_wait3A_230 = tpu.memref_slice %arg8[%dma_wait3A_225, %dma_wait3A_229] : memref<3x256xi32, #tpu.memory_space<vmem>> -> memref<1x128xi32, #tpu.memory_space<vmem>>
      %dma_wait3A_231 = tpu.memref_squeeze %dma_wait3A_230 : memref<1x128xi32, #tpu.memory_space<vmem>> -> memref<128xi32, #tpu.memory_space<vmem>>
      %dma_wait3A_232 = arith.constant 0 : i32
      %dma_wait3A_233 = arith.constant 0 : i32
      %dma_wait3A_234 = tpu.memref_slice %arg2[%dma_wait3A_232, %dma_wait3A_233] : memref<10000x64xi32, #tpu.memory_space<hbm>> -> memref<10000x64xi32, #tpu.memory_space<hbm>>
      tpu.wait_indirect_dma semaphore(%arg18 : memref<!tpu.dma_semaphore, #tpu.memory_space<semaphore_mem>>) src(%dma_wait3A_234 : memref<10000x64xi32, #tpu.memory_space<hbm>>) dst(%dma_wait3A_228 : memref<128x64xi32, #tpu.memory_space<vmem>>)
      %dma_wait3A_235 = arith.constant 1 : i32
      %dma_wait3A_236 = arith.constant 0 : i32
      %dma_wait3A_237 = arith.constant 0 : i32
      %dma_wait3A_238 = tpu.memref_slice %arg12[%dma_wait3A_236, %dma_wait3A_237] : memref<256x64xi32, #tpu.memory_space<vmem>> -> memref<128x64xi32, #tpu.memory_space<vmem>>
      %dma_wait3A_239 = arith.constant 0 : i32
      %dma_wait3A_240 = tpu.memref_slice %arg8[%dma_wait3A_235, %dma_wait3A_239] : memref<3x256xi32, #tpu.memory_space<vmem>> -> memref<1x128xi32, #tpu.memory_space<vmem>>
      %dma_wait3A_241 = tpu.memref_squeeze %dma_wait3A_240 : memref<1x128xi32, #tpu.memory_space<vmem>> -> memref<128xi32, #tpu.memory_space<vmem>>
      %dma_wait3A_242 = arith.constant 0 : i32
      %dma_wait3A_243 = arith.constant 0 : i32
      %dma_wait3A_244 = tpu.memref_slice %arg2[%dma_wait3A_242, %dma_wait3A_243] : memref<10000x64xi32, #tpu.memory_space<hbm>> -> memref<10000x64xi32, #tpu.memory_space<hbm>>
      tpu.wait_indirect_dma semaphore(%arg18 : memref<!tpu.dma_semaphore, #tpu.memory_space<semaphore_mem>>) src(%dma_wait3A_244 : memref<10000x64xi32, #tpu.memory_space<hbm>>) dst(%dma_wait3A_238 : memref<128x64xi32, #tpu.memory_space<vmem>>)
      %dma_wait3A_245 = arith.constant 1 : i32
      %dma_wait3A_246 = arith.constant 128 : i32
      %dma_wait3A_247 = arith.constant 0 : i32
      %dma_wait3A_248 = tpu.memref_slice %arg12[%dma_wait3A_246, %dma_wait3A_247] : memref<256x64xi32, #tpu.memory_space<vmem>> -> memref<128x64xi32, #tpu.memory_space<vmem>>
      %dma_wait3A_249 = arith.constant 128 : i32
      %dma_wait3A_250 = tpu.memref_slice %arg8[%dma_wait3A_245, %dma_wait3A_249] : memref<3x256xi32, #tpu.memory_space<vmem>> -> memref<1x128xi32, #tpu.memory_space<vmem>>
      %dma_wait3A_251 = tpu.memref_squeeze %dma_wait3A_250 : memref<1x128xi32, #tpu.memory_space<vmem>> -> memref<128xi32, #tpu.memory_space<vmem>>
      %dma_wait3A_252 = arith.constant 0 : i32
      %dma_wait3A_253 = arith.constant 0 : i32
      %dma_wait3A_254 = tpu.memref_slice %arg2[%dma_wait3A_252, %dma_wait3A_253] : memref<10000x64xi32, #tpu.memory_space<hbm>> -> memref<10000x64xi32, #tpu.memory_space<hbm>>
      tpu.wait_indirect_dma semaphore(%arg18 : memref<!tpu.dma_semaphore, #tpu.memory_space<semaphore_mem>>) src(%dma_wait3A_254 : memref<10000x64xi32, #tpu.memory_space<hbm>>) dst(%dma_wait3A_248 : memref<128x64xi32, #tpu.memory_space<vmem>>)
      %add3A_255 = arith.constant 2 : i32
      %add3A_256 = arith.addi %mul3A_106, %add3A_255 : i32
      %lt3A_257 = arith.cmpi slt, %add3A_256, %add3A_7 : i32
      %convert_element_type3A_258 = arith.extui %lt3A_257 : i1 to i32
      %cond3A_259 = arith.constant 0 : i32
      %cond3A_260 = arith.cmpi ne, %convert_element_type3A_258, %cond3A_259 : i32
      scf.if %cond3A_260 {
        %add3A_280 = arith.constant 2 : i32
        %add3A_281 = arith.addi %mul3A_106, %add3A_280 : i32
        %add3A_282 = arith.addi %add3A_4, %add3A_281 : i32
        %dma_wait3A_283 = arith.constant 0 : i32
        %dma_wait3A_284 = arith.constant 0 : i32
        %dma_wait3A_285 = tpu.memref_slice %arg3[%add3A_282, %dma_wait3A_283, %dma_wait3A_284] : memref<1250x3x256xi32, #tpu.memory_space<hbm>> -> memref<1x3x256xi32, #tpu.memory_space<hbm>>
        %dma_wait3A_286 = tpu.memref_squeeze %dma_wait3A_285 : memref<1x3x256xi32, #tpu.memory_space<hbm>> -> memref<3x256xi32, #tpu.memory_space<hbm>>
        %dma_wait3A_287 = arith.constant 0 : i32
        %dma_wait3A_288 = arith.constant 0 : i32
        %dma_wait3A_289 = tpu.memref_slice %arg3[%add3A_282, %dma_wait3A_287, %dma_wait3A_288] : memref<1250x3x256xi32, #tpu.memory_space<hbm>> -> memref<1x3x256xi32, #tpu.memory_space<hbm>>
        %dma_wait3A_290 = tpu.memref_squeeze %dma_wait3A_289 : memref<1x3x256xi32, #tpu.memory_space<hbm>> -> memref<3x256xi32, #tpu.memory_space<hbm>>
        tpu.wait_dma2 semaphore(%arg15 : memref<!tpu.dma_semaphore, #tpu.memory_space<semaphore_mem>>) src(%dma_wait3A_290 : memref<3x256xi32, #tpu.memory_space<hbm>>) dst(%arg7 : memref<3x256xi32, #tpu.memory_space<vmem>>)
        %dma_start3A_291 = arith.constant 0 : i32
        %dma_start3A_292 = arith.constant 0 : i32
        %dma_start3A_293 = arith.constant 0 : i32
        %dma_start3A_294 = tpu.memref_slice %arg9[%dma_start3A_292, %dma_start3A_293] : memref<256x64xi32, #tpu.memory_space<vmem>> -> memref<128x64xi32, #tpu.memory_space<vmem>>
        %dma_start3A_295 = arith.constant 0 : i32
        %dma_start3A_296 = tpu.memref_slice %arg7[%dma_start3A_291, %dma_start3A_295] : memref<3x256xi32, #tpu.memory_space<vmem>> -> memref<1x128xi32, #tpu.memory_space<vmem>>
        %dma_start3A_297 = tpu.memref_squeeze %dma_start3A_296 : memref<1x128xi32, #tpu.memory_space<vmem>> -> memref<128xi32, #tpu.memory_space<vmem>>
        %dma_start3A_298 = arith.constant 0 : i32
        %dma_start3A_299 = arith.constant 0 : i32
        %dma_start3A_300 = tpu.memref_slice %arg2[%dma_start3A_298, %dma_start3A_299] : memref<10000x64xi32, #tpu.memory_space<hbm>> -> memref<10000x64xi32, #tpu.memory_space<hbm>>
        tpu.enqueue_indirect_dma source(%dma_start3A_300 : memref<10000x64xi32, #tpu.memory_space<hbm>>) target(%dma_start3A_294 : memref<128x64xi32, #tpu.memory_space<vmem>>) offsets(%dma_start3A_297 : memref<128xi32, #tpu.memory_space<vmem>>) semaphore(%arg17 : memref<!tpu.dma_semaphore, #tpu.memory_space<semaphore_mem>>)
        %dma_start3A_301 = arith.constant 0 : i32
        %dma_start3A_302 = arith.constant 128 : i32
        %dma_start3A_303 = arith.constant 0 : i32
        %dma_start3A_304 = tpu.memref_slice %arg9[%dma_start3A_302, %dma_start3A_303] : memref<256x64xi32, #tpu.memory_space<vmem>> -> memref<128x64xi32, #tpu.memory_space<vmem>>
        %dma_start3A_305 = arith.constant 128 : i32
        %dma_start3A_306 = tpu.memref_slice %arg7[%dma_start3A_301, %dma_start3A_305] : memref<3x256xi32, #tpu.memory_space<vmem>> -> memref<1x128xi32, #tpu.memory_space<vmem>>
        %dma_start3A_307 = tpu.memref_squeeze %dma_start3A_306 : memref<1x128xi32, #tpu.memory_space<vmem>> -> memref<128xi32, #tpu.memory_space<vmem>>
        %dma_start3A_308 = arith.constant 0 : i32
        %dma_start3A_309 = arith.constant 0 : i32
        %dma_start3A_310 = tpu.memref_slice %arg2[%dma_start3A_308, %dma_start3A_309] : memref<10000x64xi32, #tpu.memory_space<hbm>> -> memref<10000x64xi32, #tpu.memory_space<hbm>>
        tpu.enqueue_indirect_dma source(%dma_start3A_310 : memref<10000x64xi32, #tpu.memory_space<hbm>>) target(%dma_start3A_304 : memref<128x64xi32, #tpu.memory_space<vmem>>) offsets(%dma_start3A_307 : memref<128xi32, #tpu.memory_space<vmem>>) semaphore(%arg17 : memref<!tpu.dma_semaphore, #tpu.memory_space<semaphore_mem>>)
        %dma_start3A_311 = arith.constant 1 : i32
        %dma_start3A_312 = arith.constant 0 : i32
        %dma_start3A_313 = arith.constant 0 : i32
        %dma_start3A_314 = tpu.memref_slice %arg11[%dma_start3A_312, %dma_start3A_313] : memref<256x64xi32, #tpu.memory_space<vmem>> -> memref<128x64xi32, #tpu.memory_space<vmem>>
        %dma_start3A_315 = arith.constant 0 : i32
        %dma_start3A_316 = tpu.memref_slice %arg7[%dma_start3A_311, %dma_start3A_315] : memref<3x256xi32, #tpu.memory_space<vmem>> -> memref<1x128xi32, #tpu.memory_space<vmem>>
        %dma_start3A_317 = tpu.memref_squeeze %dma_start3A_316 : memref<1x128xi32, #tpu.memory_space<vmem>> -> memref<128xi32, #tpu.memory_space<vmem>>
        %dma_start3A_318 = arith.constant 0 : i32
        %dma_start3A_319 = arith.constant 0 : i32
        %dma_start3A_320 = tpu.memref_slice %arg2[%dma_start3A_318, %dma_start3A_319] : memref<10000x64xi32, #tpu.memory_space<hbm>> -> memref<10000x64xi32, #tpu.memory_space<hbm>>
        tpu.enqueue_indirect_dma source(%dma_start3A_320 : memref<10000x64xi32, #tpu.memory_space<hbm>>) target(%dma_start3A_314 : memref<128x64xi32, #tpu.memory_space<vmem>>) offsets(%dma_start3A_317 : memref<128xi32, #tpu.memory_space<vmem>>) semaphore(%arg17 : memref<!tpu.dma_semaphore, #tpu.memory_space<semaphore_mem>>)
        %dma_start3A_321 = arith.constant 1 : i32
        %dma_start3A_322 = arith.constant 128 : i32
        %dma_start3A_323 = arith.constant 0 : i32
        %dma_start3A_324 = tpu.memref_slice %arg11[%dma_start3A_322, %dma_start3A_323] : memref<256x64xi32, #tpu.memory_space<vmem>> -> memref<128x64xi32, #tpu.memory_space<vmem>>
        %dma_start3A_325 = arith.constant 128 : i32
        %dma_start3A_326 = tpu.memref_slice %arg7[%dma_start3A_321, %dma_start3A_325] : memref<3x256xi32, #tpu.memory_space<vmem>> -> memref<1x128xi32, #tpu.memory_space<vmem>>
        %dma_start3A_327 = tpu.memref_squeeze %dma_start3A_326 : memref<1x128xi32, #tpu.memory_space<vmem>> -> memref<128xi32, #tpu.memory_space<vmem>>
        %dma_start3A_328 = arith.constant 0 : i32
        %dma_start3A_329 = arith.constant 0 : i32
        %dma_start3A_330 = tpu.memref_slice %arg2[%dma_start3A_328, %dma_start3A_329] : memref<10000x64xi32, #tpu.memory_space<hbm>> -> memref<10000x64xi32, #tpu.memory_space<hbm>>
        tpu.enqueue_indirect_dma source(%dma_start3A_330 : memref<10000x64xi32, #tpu.memory_space<hbm>>) target(%dma_start3A_324 : memref<128x64xi32, #tpu.memory_space<vmem>>) offsets(%dma_start3A_327 : memref<128xi32, #tpu.memory_space<vmem>>) semaphore(%arg17 : memref<!tpu.dma_semaphore, #tpu.memory_space<semaphore_mem>>)
      } else {
      }
      %ge3A_261 = arith.constant 1 : i32
      %ge3A_262 = arith.cmpi sge, %while3A_104, %ge3A_261 : i32
      %convert_element_type3A_263 = arith.extui %ge3A_262 : i1 to i32
      %cond3A_264 = arith.constant 0 : i32
      %cond3A_265 = arith.cmpi ne, %convert_element_type3A_263, %cond3A_264 : i32
      scf.if %cond3A_265 {
        %sub3A = arith.constant 2 : i32
        %sub3A_280 = arith.subi %add3A_108, %sub3A : i32
        %add3A_281 = arith.addi %add3A_4, %sub3A_280 : i32
        %mul3A_282 = arith.constant 256 : i32
        %mul3A_283 = arith.muli %add3A_281, %mul3A_282 : i32
        %dma_wait3A_284 = tpu.memref_slice %arg5[%mul3A_283] : memref<320000xf32, #tpu.memory_space<hbm>> -> memref<256xf32, #tpu.memory_space<hbm>>
        %dma_wait3A_285 = tpu.memref_slice %arg5[%mul3A_283] : memref<320000xf32, #tpu.memory_space<hbm>> -> memref<256xf32, #tpu.memory_space<hbm>>
        tpu.wait_dma2 semaphore(%arg20 : memref<!tpu.dma_semaphore, #tpu.memory_space<semaphore_mem>>) src(%arg14 : memref<256xf32, #tpu.memory_space<vmem>>) dst(%dma_wait3A_285 : memref<256xf32, #tpu.memory_space<hbm>>)
      } else {
      }
      %parallel_loop3A_266 = arith.constant 0 : i32
      %parallel_loop3A_267 = arith.constant 16 : i32
      %parallel_loop3A_268 = arith.constant 1 : i32
      scf.for %parallel_loop3A_280 = %parallel_loop3A_266 to %parallel_loop3A_267 step %parallel_loop3A_268  : i32 {
        %parallel_loop3A_281 = arith.constant 16 : i32
        %parallel_loop3A_282 = arith.muli %parallel_loop3A_280, %parallel_loop3A_281 : i32
        %parallel_loop3A_283 = vector.broadcast %parallel_loop3A_282 : i32 to vector<16xi32>
        %parallel_loop3A_284 = arith.addi %iota3A, %parallel_loop3A_283 : vector<16xi32>
        %parallel_loop3A_285 = arith.constant 16 : i32
        %parallel_loop3A_286 = arith.muli %parallel_loop3A_280, %parallel_loop3A_285 : i32
        %parallel_loop3A_287 = arith.constant 2 : i32
        %parallel_loop3A_288 = arith.index_cast %parallel_loop3A_287 : i32 to index
        %parallel_loop3A_289 = arith.index_cast %parallel_loop3A_286 : i32 to index
        %parallel_loop3A_290 = tpu.vector_load %arg8[%parallel_loop3A_288, %parallel_loop3A_289] {strides = array<i32>} : memref<3x256xi32, #tpu.memory_space<vmem>>, vector<16xi32>,
        %parallel_loop3A_291 = arith.constant 64 : i32
        %parallel_loop3A_292 = vector.broadcast %parallel_loop3A_291 : i32 to vector<16xi32>
        %parallel_loop3A_293 = arith.muli %parallel_loop3A_290, %parallel_loop3A_292 : vector<16xi32>
        %parallel_loop3A_294 = arith.constant 0.000000e+00 : f32
        %parallel_loop3A_295 = vector.broadcast %parallel_loop3A_294 : f32 to vector<16xf32>
        %parallel_loop3A_296 = arith.constant 0 : i32
        %parallel_loop3A_297 = arith.constant 64 : i32
        %parallel_loop3A_298 = arith.constant 1 : i32
        %parallel_loop3A_299:2 = scf.for %parallel_loop3A_307 = %parallel_loop3A_296 to %parallel_loop3A_297 step %parallel_loop3A_298 iter_args(%parallel_loop3A_308 = %parallel_loop3A_295, %parallel_loop3A_309 = %parallel_loop3A_295) -> (vector<16xf32>, vector<16xf32>)  : i32 {
          %parallel_loop3A_310 = vector.broadcast %parallel_loop3A_307 : i32 to vector<16xi32>
          %parallel_loop3A_311 = arith.addi %iota3A, %parallel_loop3A_310 : vector<16xi32>
          %parallel_loop3A_312 = arith.constant 63 : i32
          %parallel_loop3A_313 = vector.broadcast %parallel_loop3A_312 : i32 to vector<16xi32>
          %parallel_loop3A_314 = arith.andi %parallel_loop3A_311, %parallel_loop3A_313 : vector<16xi32>
          %parallel_loop3A_315 = tpu.vector_load_idx %arg10[%parallel_loop3A_284, %parallel_loop3A_314] : memref<256x64xi32, #tpu.memory_space<vmem>>[vector<16xi32>, vector<16xi32>], vector<16xi32>,
          %parallel_loop3A_316 = tpu.vector_load_idx %arg12[%parallel_loop3A_284, %parallel_loop3A_314] : memref<256x64xi32, #tpu.memory_space<vmem>>[vector<16xi32>, vector<16xi32>], vector<16xi32>,
          %parallel_loop3A_317 = arith.addi %parallel_loop3A_293, %parallel_loop3A_314 : vector<16xi32>
          %parallel_loop3A_318 = tpu.vector_load_idx %arg6[%parallel_loop3A_317] : memref<1024xi32, #tpu.memory_space<vmem>>[vector<16xi32>], vector<16xi32>,
          %parallel_loop3A_319 = vector.bitcast %parallel_loop3A_315 : vector<16xi32> to vector<32xbf16>
          %parallel_loop3A_320 = vector.bitcast %parallel_loop3A_316 : vector<16xi32> to vector<32xbf16>
          %parallel_loop3A_321 = vector.bitcast %parallel_loop3A_318 : vector<16xi32> to vector<32xbf16>
          %parallel_loop3A_322 = arith.mulf %parallel_loop3A_319, %parallel_loop3A_320 : vector<32xbf16>
          %parallel_loop3A_323 = arith.mulf %parallel_loop3A_322, %parallel_loop3A_321 : vector<32xbf16>
          %parallel_loop3A_324 = tpu.unpack_subelements %parallel_loop3A_323, 0 {pack_format = #tpu.pack_format<interleaved>} : vector<32xbf16> -> vector<16xf32>
          %parallel_loop3A_325 = tpu.unpack_subelements %parallel_loop3A_323, 1 {pack_format = #tpu.pack_format<interleaved>} : vector<32xbf16> -> vector<16xf32>
          %parallel_loop3A_326 = arith.addf %parallel_loop3A_308, %parallel_loop3A_324 : vector<16xf32>
          %parallel_loop3A_327 = arith.addf %parallel_loop3A_309, %parallel_loop3A_325 : vector<16xf32>
          scf.yield %parallel_loop3A_326, %parallel_loop3A_327 : vector<16xf32>, vector<16xf32>
        } {sc.loop_unroll_factor = 8 : i64, sc.parallel_access}
        %parallel_loop3A_300 = arith.addf %parallel_loop3A_299#0, %parallel_loop3A_299#1 : vector<16xf32>
        %parallel_loop3A_301 = vector.broadcast %while3A_77 : f32 to vector<16xf32>
        %parallel_loop3A_302 = arith.mulf %parallel_loop3A_300, %parallel_loop3A_301 : vector<16xf32>
        %parallel_loop3A_303 = arith.constant 16 : i32
        %parallel_loop3A_304 = arith.muli %parallel_loop3A_280, %parallel_loop3A_303 : i32
        %parallel_loop3A_305 = arith.index_cast %parallel_loop3A_304 : i32 to index
        %parallel_loop3A_306 = tpu.vector_load %arg14[%parallel_loop3A_305] {strides = array<i32>} : memref<256xf32, #tpu.memory_space<vmem>>, vector<16xf32>,
        tpu.vector_store %arg14[%parallel_loop3A_305], %parallel_loop3A_302 {strides = array<i32>} : memref<256xf32, #tpu.memory_space<vmem>>, vector<16xf32>,
      } {sc.loop_unroll_factor = 1 : i64, sc.parallel_access}
      %add3A_269 = arith.addi %add3A_4, %add3A_108 : i32
      %mul3A_270 = arith.constant 256 : i32
      %mul3A_271 = arith.muli %add3A_269, %mul3A_270 : i32
      %dma_start3A_272 = tpu.memref_slice %arg5[%mul3A_271] : memref<320000xf32, #tpu.memory_space<hbm>> -> memref<256xf32, #tpu.memory_space<hbm>>
      %dma_start3A_273 = tpu.memref_slice %arg5[%mul3A_271] : memref<320000xf32, #tpu.memory_space<hbm>> -> memref<256xf32, #tpu.memory_space<hbm>>
      tpu.enqueue_dma source(%arg14 : memref<256xf32, #tpu.memory_space<vmem>>) target(%dma_start3A_273 : memref<256xf32, #tpu.memory_space<hbm>>) target_semaphore(%arg20 : memref<!tpu.dma_semaphore, #tpu.memory_space<semaphore_mem>>)
      %add3A_274 = arith.constant 2 : i32
      %add3A_275 = arith.addi %add3A_108, %add3A_274 : i32
      %lt3A_276 = arith.cmpi slt, %add3A_275, %add3A_7 : i32
      %convert_element_type3A_277 = arith.extui %lt3A_276 : i1 to i32
      %cond3A_278 = arith.constant 0 : i32
      %cond3A_279 = arith.cmpi ne, %convert_element_type3A_277, %cond3A_278 : i32
      scf.if %cond3A_279 {
        %add3A_280 = arith.constant 2 : i32
        %add3A_281 = arith.addi %add3A_108, %add3A_280 : i32
        %add3A_282 = arith.addi %add3A_4, %add3A_281 : i32
        %dma_start3A_283 = arith.constant 0 : i32
        %dma_start3A_284 = arith.constant 0 : i32
        %dma_start3A_285 = tpu.memref_slice %arg3[%add3A_282, %dma_start3A_283, %dma_start3A_284] : memref<1250x3x256xi32, #tpu.memory_space<hbm>> -> memref<1x3x256xi32, #tpu.memory_space<hbm>>
        %dma_start3A_286 = tpu.memref_squeeze %dma_start3A_285 : memref<1x3x256xi32, #tpu.memory_space<hbm>> -> memref<3x256xi32, #tpu.memory_space<hbm>>
        %dma_start3A_287 = arith.constant 0 : i32
        %dma_start3A_288 = arith.constant 0 : i32
        %dma_start3A_289 = tpu.memref_slice %arg3[%add3A_282, %dma_start3A_287, %dma_start3A_288] : memref<1250x3x256xi32, #tpu.memory_space<hbm>> -> memref<1x3x256xi32, #tpu.memory_space<hbm>>
        %dma_start3A_290 = tpu.memref_squeeze %dma_start3A_289 : memref<1x3x256xi32, #tpu.memory_space<hbm>> -> memref<3x256xi32, #tpu.memory_space<hbm>>
        tpu.enqueue_dma source(%dma_start3A_290 : memref<3x256xi32, #tpu.memory_space<hbm>>) target(%arg8 : memref<3x256xi32, #tpu.memory_space<vmem>>) target_semaphore(%arg16 : memref<!tpu.dma_semaphore, #tpu.memory_space<semaphore_mem>>)
      } else {
      }
    }
    %rem3A = arith.constant 2 : i32
    %rem3A_87 = arith.remsi %add3A_7, %rem3A : i32
    %eq3A = arith.constant 1 : i32
    %eq3A_88 = arith.cmpi eq, %rem3A_87, %eq3A : i32
    %convert_element_type3A_89 = arith.extui %eq3A_88 : i1 to i32
    %cond3A = arith.constant 7.812500e-03 : f32
    %cond3A_90 = arith.constant 0 : i32
    %cond3A_91 = arith.cmpi ne, %convert_element_type3A_89, %cond3A_90 : i32
    scf.if %cond3A_91 {
      %dma_wait3A_104 = arith.constant 0 : i32
      %dma_wait3A_105 = arith.constant 0 : i32
      %dma_wait3A_106 = arith.constant 0 : i32
      %dma_wait3A_107 = tpu.memref_slice %arg9[%dma_wait3A_105, %dma_wait3A_106] : memref<256x64xi32, #tpu.memory_space<vmem>> -> memref<128x64xi32, #tpu.memory_space<vmem>>
      %dma_wait3A_108 = arith.constant 0 : i32
      %dma_wait3A_109 = tpu.memref_slice %arg7[%dma_wait3A_104, %dma_wait3A_108] : memref<3x256xi32, #tpu.memory_space<vmem>> -> memref<1x128xi32, #tpu.memory_space<vmem>>
      %dma_wait3A_110 = tpu.memref_squeeze %dma_wait3A_109 : memref<1x128xi32, #tpu.memory_space<vmem>> -> memref<128xi32, #tpu.memory_space<vmem>>
      %dma_wait3A_111 = arith.constant 0 : i32
      %dma_wait3A_112 = arith.constant 0 : i32
      %dma_wait3A_113 = tpu.memref_slice %arg2[%dma_wait3A_111, %dma_wait3A_112] : memref<10000x64xi32, #tpu.memory_space<hbm>> -> memref<10000x64xi32, #tpu.memory_space<hbm>>
      tpu.wait_indirect_dma semaphore(%arg17 : memref<!tpu.dma_semaphore, #tpu.memory_space<semaphore_mem>>) src(%dma_wait3A_113 : memref<10000x64xi32, #tpu.memory_space<hbm>>) dst(%dma_wait3A_107 : memref<128x64xi32, #tpu.memory_space<vmem>>)
      %dma_wait3A_114 = arith.constant 0 : i32
      %dma_wait3A_115 = arith.constant 128 : i32
      %dma_wait3A_116 = arith.constant 0 : i32
      %dma_wait3A_117 = tpu.memref_slice %arg9[%dma_wait3A_115, %dma_wait3A_116] : memref<256x64xi32, #tpu.memory_space<vmem>> -> memref<128x64xi32, #tpu.memory_space<vmem>>
      %dma_wait3A_118 = arith.constant 128 : i32
      %dma_wait3A_119 = tpu.memref_slice %arg7[%dma_wait3A_114, %dma_wait3A_118] : memref<3x256xi32, #tpu.memory_space<vmem>> -> memref<1x128xi32, #tpu.memory_space<vmem>>
      %dma_wait3A_120 = tpu.memref_squeeze %dma_wait3A_119 : memref<1x128xi32, #tpu.memory_space<vmem>> -> memref<128xi32, #tpu.memory_space<vmem>>
      %dma_wait3A_121 = arith.constant 0 : i32
      %dma_wait3A_122 = arith.constant 0 : i32
      %dma_wait3A_123 = tpu.memref_slice %arg2[%dma_wait3A_121, %dma_wait3A_122] : memref<10000x64xi32, #tpu.memory_space<hbm>> -> memref<10000x64xi32, #tpu.memory_space<hbm>>
      tpu.wait_indirect_dma semaphore(%arg17 : memref<!tpu.dma_semaphore, #tpu.memory_space<semaphore_mem>>) src(%dma_wait3A_123 : memref<10000x64xi32, #tpu.memory_space<hbm>>) dst(%dma_wait3A_117 : memref<128x64xi32, #tpu.memory_space<vmem>>)
      %dma_wait3A_124 = arith.constant 1 : i32
      %dma_wait3A_125 = arith.constant 0 : i32
      %dma_wait3A_126 = arith.constant 0 : i32
      %dma_wait3A_127 = tpu.memref_slice %arg11[%dma_wait3A_125, %dma_wait3A_126] : memref<256x64xi32, #tpu.memory_space<vmem>> -> memref<128x64xi32, #tpu.memory_space<vmem>>
      %dma_wait3A_128 = arith.constant 0 : i32
      %dma_wait3A_129 = tpu.memref_slice %arg7[%dma_wait3A_124, %dma_wait3A_128] : memref<3x256xi32, #tpu.memory_space<vmem>> -> memref<1x128xi32, #tpu.memory_space<vmem>>
      %dma_wait3A_130 = tpu.memref_squeeze %dma_wait3A_129 : memref<1x128xi32, #tpu.memory_space<vmem>> -> memref<128xi32, #tpu.memory_space<vmem>>
      %dma_wait3A_131 = arith.constant 0 : i32
      %dma_wait3A_132 = arith.constant 0 : i32
      %dma_wait3A_133 = tpu.memref_slice %arg2[%dma_wait3A_131, %dma_wait3A_132] : memref<10000x64xi32, #tpu.memory_space<hbm>> -> memref<10000x64xi32, #tpu.memory_space<hbm>>
      tpu.wait_indirect_dma semaphore(%arg17 : memref<!tpu.dma_semaphore, #tpu.memory_space<semaphore_mem>>) src(%dma_wait3A_133 : memref<10000x64xi32, #tpu.memory_space<hbm>>) dst(%dma_wait3A_127 : memref<128x64xi32, #tpu.memory_space<vmem>>)
      %dma_wait3A_134 = arith.constant 1 : i32
      %dma_wait3A_135 = arith.constant 128 : i32
      %dma_wait3A_136 = arith.constant 0 : i32
      %dma_wait3A_137 = tpu.memref_slice %arg11[%dma_wait3A_135, %dma_wait3A_136] : memref<256x64xi32, #tpu.memory_space<vmem>> -> memref<128x64xi32, #tpu.memory_space<vmem>>
      %dma_wait3A_138 = arith.constant 128 : i32
      %dma_wait3A_139 = tpu.memref_slice %arg7[%dma_wait3A_134, %dma_wait3A_138] : memref<3x256xi32, #tpu.memory_space<vmem>> -> memref<1x128xi32, #tpu.memory_space<vmem>>
      %dma_wait3A_140 = tpu.memref_squeeze %dma_wait3A_139 : memref<1x128xi32, #tpu.memory_space<vmem>> -> memref<128xi32, #tpu.memory_space<vmem>>
      %dma_wait3A_141 = arith.constant 0 : i32
      %dma_wait3A_142 = arith.constant 0 : i32
      %dma_wait3A_143 = tpu.memref_slice %arg2[%dma_wait3A_141, %dma_wait3A_142] : memref<10000x64xi32, #tpu.memory_space<hbm>> -> memref<10000x64xi32, #tpu.memory_space<hbm>>
      tpu.wait_indirect_dma semaphore(%arg17 : memref<!tpu.dma_semaphore, #tpu.memory_space<semaphore_mem>>) src(%dma_wait3A_143 : memref<10000x64xi32, #tpu.memory_space<hbm>>) dst(%dma_wait3A_137 : memref<128x64xi32, #tpu.memory_space<vmem>>)
      %sub3A = arith.constant 3 : i32
      %sub3A_144 = arith.subi %add3A_7, %sub3A : i32
      %add3A_145 = arith.addi %add3A_4, %sub3A_144 : i32
      %mul3A_146 = arith.constant 256 : i32
      %mul3A_147 = arith.muli %add3A_145, %mul3A_146 : i32
      %dma_wait3A_148 = tpu.memref_slice %arg5[%mul3A_147] : memref<320000xf32, #tpu.memory_space<hbm>> -> memref<256xf32, #tpu.memory_space<hbm>>
      %dma_wait3A_149 = tpu.memref_slice %arg5[%mul3A_147] : memref<320000xf32, #tpu.memory_space<hbm>> -> memref<256xf32, #tpu.memory_space<hbm>>
      tpu.wait_dma2 semaphore(%arg19 : memref<!tpu.dma_semaphore, #tpu.memory_space<semaphore_mem>>) src(%arg13 : memref<256xf32, #tpu.memory_space<vmem>>) dst(%dma_wait3A_149 : memref<256xf32, #tpu.memory_space<hbm>>)
      %parallel_loop3A = arith.constant 0 : i32
      %parallel_loop3A_150 = arith.constant 16 : i32
      %parallel_loop3A_151 = arith.constant 1 : i32
      scf.for %parallel_loop3A_159 = %parallel_loop3A to %parallel_loop3A_150 step %parallel_loop3A_151  : i32 {
        %parallel_loop3A_160 = arith.constant 16 : i32
        %parallel_loop3A_161 = arith.muli %parallel_loop3A_159, %parallel_loop3A_160 : i32
        %parallel_loop3A_162 = vector.broadcast %parallel_loop3A_161 : i32 to vector<16xi32>
        %parallel_loop3A_163 = arith.addi %iota3A, %parallel_loop3A_162 : vector<16xi32>
        %parallel_loop3A_164 = arith.constant 16 : i32
        %parallel_loop3A_165 = arith.muli %parallel_loop3A_159, %parallel_loop3A_164 : i32
        %parallel_loop3A_166 = arith.constant 2 : i32
        %parallel_loop3A_167 = arith.index_cast %parallel_loop3A_166 : i32 to index
        %parallel_loop3A_168 = arith.index_cast %parallel_loop3A_165 : i32 to index
        %parallel_loop3A_169 = tpu.vector_load %arg7[%parallel_loop3A_167, %parallel_loop3A_168] {strides = array<i32>} : memref<3x256xi32, #tpu.memory_space<vmem>>, vector<16xi32>,
        %parallel_loop3A_170 = arith.constant 64 : i32
        %parallel_loop3A_171 = vector.broadcast %parallel_loop3A_170 : i32 to vector<16xi32>
        %parallel_loop3A_172 = arith.muli %parallel_loop3A_169, %parallel_loop3A_171 : vector<16xi32>
        %parallel_loop3A_173 = arith.constant 0.000000e+00 : f32
        %parallel_loop3A_174 = vector.broadcast %parallel_loop3A_173 : f32 to vector<16xf32>
        %parallel_loop3A_175 = arith.constant 0 : i32
        %parallel_loop3A_176 = arith.constant 64 : i32
        %parallel_loop3A_177 = arith.constant 1 : i32
        %parallel_loop3A_178:2 = scf.for %parallel_loop3A_186 = %parallel_loop3A_175 to %parallel_loop3A_176 step %parallel_loop3A_177 iter_args(%parallel_loop3A_187 = %parallel_loop3A_174, %parallel_loop3A_188 = %parallel_loop3A_174) -> (vector<16xf32>, vector<16xf32>)  : i32 {
          %parallel_loop3A_189 = vector.broadcast %parallel_loop3A_186 : i32 to vector<16xi32>
          %parallel_loop3A_190 = arith.addi %iota3A, %parallel_loop3A_189 : vector<16xi32>
          %parallel_loop3A_191 = arith.constant 63 : i32
          %parallel_loop3A_192 = vector.broadcast %parallel_loop3A_191 : i32 to vector<16xi32>
          %parallel_loop3A_193 = arith.andi %parallel_loop3A_190, %parallel_loop3A_192 : vector<16xi32>
          %parallel_loop3A_194 = tpu.vector_load_idx %arg9[%parallel_loop3A_163, %parallel_loop3A_193] : memref<256x64xi32, #tpu.memory_space<vmem>>[vector<16xi32>, vector<16xi32>], vector<16xi32>,
          %parallel_loop3A_195 = tpu.vector_load_idx %arg11[%parallel_loop3A_163, %parallel_loop3A_193] : memref<256x64xi32, #tpu.memory_space<vmem>>[vector<16xi32>, vector<16xi32>], vector<16xi32>,
          %parallel_loop3A_196 = arith.addi %parallel_loop3A_172, %parallel_loop3A_193 : vector<16xi32>
          %parallel_loop3A_197 = tpu.vector_load_idx %arg6[%parallel_loop3A_196] : memref<1024xi32, #tpu.memory_space<vmem>>[vector<16xi32>], vector<16xi32>,
          %parallel_loop3A_198 = vector.bitcast %parallel_loop3A_194 : vector<16xi32> to vector<32xbf16>
          %parallel_loop3A_199 = vector.bitcast %parallel_loop3A_195 : vector<16xi32> to vector<32xbf16>
          %parallel_loop3A_200 = vector.bitcast %parallel_loop3A_197 : vector<16xi32> to vector<32xbf16>
          %parallel_loop3A_201 = arith.mulf %parallel_loop3A_198, %parallel_loop3A_199 : vector<32xbf16>
          %parallel_loop3A_202 = arith.mulf %parallel_loop3A_201, %parallel_loop3A_200 : vector<32xbf16>
          %parallel_loop3A_203 = tpu.unpack_subelements %parallel_loop3A_202, 0 {pack_format = #tpu.pack_format<interleaved>} : vector<32xbf16> -> vector<16xf32>
          %parallel_loop3A_204 = tpu.unpack_subelements %parallel_loop3A_202, 1 {pack_format = #tpu.pack_format<interleaved>} : vector<32xbf16> -> vector<16xf32>
          %parallel_loop3A_205 = arith.addf %parallel_loop3A_187, %parallel_loop3A_203 : vector<16xf32>
          %parallel_loop3A_206 = arith.addf %parallel_loop3A_188, %parallel_loop3A_204 : vector<16xf32>
          scf.yield %parallel_loop3A_205, %parallel_loop3A_206 : vector<16xf32>, vector<16xf32>
        } {sc.loop_unroll_factor = 8 : i64, sc.parallel_access}
        %parallel_loop3A_179 = arith.addf %parallel_loop3A_178#0, %parallel_loop3A_178#1 : vector<16xf32>
        %parallel_loop3A_180 = vector.broadcast %cond3A : f32 to vector<16xf32>
        %parallel_loop3A_181 = arith.mulf %parallel_loop3A_179, %parallel_loop3A_180 : vector<16xf32>
        %parallel_loop3A_182 = arith.constant 16 : i32
        %parallel_loop3A_183 = arith.muli %parallel_loop3A_159, %parallel_loop3A_182 : i32
        %parallel_loop3A_184 = arith.index_cast %parallel_loop3A_183 : i32 to index
        %parallel_loop3A_185 = tpu.vector_load %arg13[%parallel_loop3A_184] {strides = array<i32>} : memref<256xf32, #tpu.memory_space<vmem>>, vector<16xf32>,
        tpu.vector_store %arg13[%parallel_loop3A_184], %parallel_loop3A_181 {strides = array<i32>} : memref<256xf32, #tpu.memory_space<vmem>>, vector<16xf32>,
      } {sc.loop_unroll_factor = 1 : i64, sc.parallel_access}
      %sub3A_152 = arith.constant 1 : i32
      %sub3A_153 = arith.subi %add3A_7, %sub3A_152 : i32
      %add3A_154 = arith.addi %add3A_4, %sub3A_153 : i32
      %mul3A_155 = arith.constant 256 : i32
      %mul3A_156 = arith.muli %add3A_154, %mul3A_155 : i32
      %dma_start3A_157 = tpu.memref_slice %arg5[%mul3A_156] : memref<320000xf32, #tpu.memory_space<hbm>> -> memref<256xf32, #tpu.memory_space<hbm>>
      %dma_start3A_158 = tpu.memref_slice %arg5[%mul3A_156] : memref<320000xf32, #tpu.memory_space<hbm>> -> memref<256xf32, #tpu.memory_space<hbm>>
      tpu.enqueue_dma source(%arg13 : memref<256xf32, #tpu.memory_space<vmem>>) target(%dma_start3A_158 : memref<256xf32, #tpu.memory_space<hbm>>) target_semaphore(%arg19 : memref<!tpu.dma_semaphore, #tpu.memory_space<semaphore_mem>>)
    } else {
    }
    %add3A_92 = arith.constant 0 : i32
    %add3A_93 = arith.addi %add3A_4, %add3A_92 : i32
    %mul3A_94 = arith.constant 256 : i32
    %mul3A_95 = arith.muli %add3A_93, %mul3A_94 : i32
    %dma_wait3A_96 = tpu.memref_slice %arg5[%mul3A_95] : memref<320000xf32, #tpu.memory_space<hbm>> -> memref<256xf32, #tpu.memory_space<hbm>>
    %dma_wait3A_97 = tpu.memref_slice %arg5[%mul3A_95] : memref<320000xf32, #tpu.memory_space<hbm>> -> memref<256xf32, #tpu.memory_space<hbm>>
    tpu.wait_dma2 semaphore(%arg19 : memref<!tpu.dma_semaphore, #tpu.memory_space<semaphore_mem>>) src(%arg13 : memref<256xf32, #tpu.memory_space<vmem>>) dst(%dma_wait3A_97 : memref<256xf32, #tpu.memory_space<hbm>>)
    %add3A_98 = arith.constant 0 : i32
    %add3A_99 = arith.addi %add3A_4, %add3A_98 : i32
    %mul3A_100 = arith.constant 256 : i32
    %mul3A_101 = arith.muli %add3A_99, %mul3A_100 : i32
    %dma_wait3A_102 = tpu.memref_slice %arg5[%mul3A_101] : memref<320000xf32, #tpu.memory_space<hbm>> -> memref<256xf32, #tpu.memory_space<hbm>>
    %dma_wait3A_103 = tpu.memref_slice %arg5[%mul3A_101] : memref<320000xf32, #tpu.memory_space<hbm>> -> memref<256xf32, #tpu.memory_space<hbm>>
    tpu.wait_dma2 semaphore(%arg20 : memref<!tpu.dma_semaphore, #tpu.memory_space<semaphore_mem>>) src(%arg14 : memref<256xf32, #tpu.memory_space<vmem>>) dst(%dma_wait3A_103 : memref<256xf32, #tpu.memory_space<hbm>>)
    return
  }
}

</mosaic_0001>

<sc_bundles>
// kernel: _run.3.cloned.1.call-start
scs
__scs_entry_jumppad:
0x0: {  	(pc) =	sbr.rel $0x88, $3  }
0x1: {  	(tag) =	ssettag $0x0;
	lr =	simm.s32 $0x1  }
0x2: {  	[smem:$0x3F9E] =	sst lr;
	_ =	strace $0xD0000000  }
0x3: {  	_ = 	snop  }
0x4: {  	_ = 	snop  }
0x5: {  	_ = 	snop  }
0x6: {  	_ = 	snop  }
0x7: {  	_ = 	snop  }
__scs_overlays_trampoline_lowered:
0x8: {  	[smem:$0x3FAD] =	sst s0  }
0x9: {  	[smem:$0x3FAE] =	sst s1  }
0xa: {  	[smem:$0x3FAF] =	sst s2  }
0xb: {  	[smem:$0x3FB0] =	sst s3  }
0xc: {  	[smem:$0x3FB1] =	sst s4  }
0xd: {  	[smem:$0x3FB2] =	sst s5  }
0xe: {  	[smem:$0x3FB3] =	sst s6  }
0xf: {  	[smem:$0x3FB4] =	sst s7  }
0x10: {  	[smem:$0x3FB5] =	sst s8  }
0x11: {  	[smem:$0x3FB6] =	sst s9;
	s0 =	simm.s32 @!p0 $0x0  }
0x12: {  	s1 =	sld [smem:$0x3F9C];
	s0 =	simm.s32 @p0 $0x1  }
0x13: {  	[smem:$0x3FB7] =	sst s0;
	s0 =	simm.s32 @!p1 $0x0  }
0x14: {  	s2 =	sld [smem:$0x3F9B];
	s0 =	simm.s32 @p1 $0x1  }
0x15: {  	[smem:$0x3FB8] =	sst s0;
	s0 =	simm.s32 @!p2 $0x0  }
0x16: {  	s3 =	sld [smem:$0x3FDB];
	s0 =	simm.s32 @p2 $0x1  }
0x17: {  	s4 =	simm.s32 $0x1BF5;
	[smem:$0x3FBA] =	sst s0  }
0x18: {  	s0 =	sld [smem:$0x3F9D];
	_ =	swait.ge [sflag:s4], $0x0  }
0x19: {  	s7 =	sld [smem:$0x3F9E]  }
0x1a: {  	s8 =	sadd.s32 $0xFFFFE003, lr  }
0x1b: {  	s9 =	sadd.s32 $0xFFFFFEF7, lr;
	s5 =	simm.s32 $0xFFFFFFFF;
	p2 =	slt.u32 s8, $0xFFFFF086  }
0x1c: {  	p1 =	slt.u32 s9, $0xF7A;
	s5 =	simm.s32 @!p2 $0x0  }
0x1d: {  	s5 =	simm.s32 @p1 $0x1;
	p0 =	seq.s32 s7, s2  }
0x1e: {  	s7 =	smul.u32 @!p0 $0xF7A, s2;
	p2 =	seq.s32 @!p0 s5, $0x0  }
0x1f: {  	s9 =	smul.u32 $0xF7A, s1;
	s8 =	simm.s32 @!p0 $0x1BF5;
	p2 =	por !p2, p0  }
0x20: {  	[sflag:s8] =	ssyncset.s32 @!p0 $0xFFFFF086;
	s6 =	sadd.s32 @!p0 s3, s7;
	s7 =	simm.s32 @!p0 $0x108  }
0x21: {  	s3 =	sadd.s32 s3, s9;
	s6 =	sadd.s32 @!p0 $0x88, s6;
	s7 =	simm.s32 @p2 $0x1082  }
0x22: {  	[simem:s7], [sflag:s8] =	dma.local @!p0 [hbm:s6], $0xF7A  }
0x23: {  	s9 =	sor.u32 $0xD0000000, s2;
	s6 =	simm.s32 $0x108;
	_ =	swait.ge @!p0 [sflag:s8], $0x0  }
0x24: {  	s3 =	sadd.s32 $0x88, s3;
	s6 =	simm.s32 @!p1 $0x1082;
	[sflag:s4] =	ssyncset.s32 $0xFFFFF086  }
0x25: {  	[simem:s6], [sflag:s4] =	dma.local [hbm:s3], $0xF7A  }
0x26: {  	[smem:$0x3F9E] =	sst s1;
	(tag) =	ssettag s2;
	_ =	strace s9  }
0x27: {  	s1 =	sld [smem:$0x3FAE]  }
0x28: {  	s2 =	sld [smem:$0x3FAF]  }
0x29: {  	s4 =	sld [smem:$0x3FB1]  }
0x2a: {  	p0 =	seq.s32 s5, $0x0;
	s5 =	sld [smem:$0x3FB2]  }
0x2b: {  	s6 =	sld [smem:$0x3FB3]  }
0x2c: {  	s7 =	sld [smem:$0x3FB4]  }
0x2d: {  	s3 =	simm.s32 $0x108;
	s8 =	sld [smem:$0x3FB5]  }
0x2e: {  	s3 =	simm.s32 @!p0 $0x1082;
	s9 =	sld [smem:$0x3FB6]  }
0x2f: {  	lr =	sadd.s32 s0, s3;
	s0 =	sld [smem:$0x3FAD]  }
0x30: {  	s3 =	sld [smem:$0x3FB0]  }
0x31: {  	[smem:$0x3FB9] =	sst s10  }
0x32: {  	s10 =	sld [smem:$0x3FB7];
	_ =	sdelay $0x3  }
0x33: {  	p0 =	seq.s32 s10, $0x1;
	s10 =	sld [smem:$0x3FB9];
	_ =	sdelay $0x3  }
0x34: {  	[smem:$0x3FB9] =	sst s10  }
0x35: {  	s10 =	sld [smem:$0x3FB8];
	_ =	sdelay $0x3  }
0x36: {  	p1 =	seq.s32 s10, $0x1;
	s10 =	sld [smem:$0x3FB9];
	_ =	sdelay $0x3  }
0x37: {  	[smem:$0x3FB9] =	sst s10  }
0x38: {  	s10 =	sld [smem:$0x3FBA]  }
0x39: {  	_ = 	snop;
	(pc) =	sbr.ind lr, $3  }
0x3a: {  	_ = 	snop  }
0x3b: {  	_ = 	snop  }
0x3c: {  	p2 =	seq.s32 s10, $0x1;
	s10 =	sld [smem:$0x3FB9]  }
0x3d: {  	_ =	shalt  }
0x3e: {  	_ =	shalt  }
0x3f: {  	_ =	shalt  }
0x40: {  	_ =	shalt  }
0x41: {  	_ =	shalt  }
0x42: {  	_ =	shalt  }
0x43: {  	_ =	shalt  }
0x44: {  	_ =	shalt  }
0x45: {  	_ =	shalt  }
0x46: {  	_ =	shalt  }
0x47: {  	_ =	shalt  }
0x48: {  	_ =	shalt  }
0x49: {  	_ =	shalt  }
0x4a: {  	_ =	shalt  }
0x4b: {  	_ =	shalt  }
0x4c: {  	_ =	shalt  }
0x4d: {  	_ =	shalt  }
0x4e: {  	_ =	shalt  }
0x4f: {  	_ =	shalt  }
0x50: {  	_ =	shalt  }
0x51: {  	_ =	shalt  }
0x52: {  	_ =	shalt  }
0x53: {  	_ =	shalt  }
0x54: {  	_ =	shalt  }
0x55: {  	_ =	shalt  }
0x56: {  	_ =	shalt  }
0x57: {  	_ =	shalt  }
0x58: {  	_ =	shalt  }
0x59: {  	_ =	shalt  }
0x5a: {  	_ =	shalt  }
0x5b: {  	_ =	shalt  }
0x5c: {  	_ =	shalt  }
0x5d: {  	_ =	shalt  }
0x5e: {  	_ =	shalt  }
0x5f: {  	_ =	shalt  }
0x60: {  	_ =	shalt  }
0x61: {  	_ =	shalt  }
0x62: {  	_ =	shalt  }
0x63: {  	_ =	shalt  }
0x64: {  	_ =	shalt  }
0x65: {  	_ =	shalt  }
0x66: {  	_ =	shalt  }
0x67: {  	_ =	shalt  }
0x68: {  	_ =	shalt  }
0x69: {  	_ =	shalt  }
0x6a: {  	_ =	shalt  }
0x6b: {  	_ =	shalt  }
0x6c: {  	_ =	shalt  }
0x6d: {  	_ =	shalt  }
0x6e: {  	_ =	shalt  }
0x6f: {  	_ =	shalt  }
0x70: {  	_ =	shalt  }
0x71: {  	_ =	shalt  }
0x72: {  	_ =	shalt  }
0x73: {  	_ =	shalt  }
0x74: {  	_ =	shalt  }
0x75: {  	_ =	shalt  }
0x76: {  	_ =	shalt  }
0x77: {  	_ =	shalt  }
0x78: {  	_ =	shalt  }
0x79: {  	_ =	shalt  }
0x7a: {  	_ =	shalt  }
0x7b: {  	_ =	shalt  }
0x7c: {  	_ =	shalt  }
0x7d: {  	_ =	shalt  }
0x7e: {  	_ =	shalt  }
0x7f: {  	_ =	shalt  }
0x80: {  	_ =	shalt  }
0x81: {  	_ =	shalt  }
0x82: {  	_ =	shalt  }
0x83: {  	_ =	shalt  }
0x84: {  	_ =	shalt  }
0x85: {  	_ =	shalt  }
0x86: {  	_ =	shalt  }
0x87: {  	_ =	shalt  }
.Lfunc_end0:
.L_simem_size_0:
called_computation_lowered:
.L_overlay_start_0:
0x88: {  	s2 =	sld [smem:$0x3FD9]  }
0x89: {  	s3 =	sld [smem:$0x3FFE];
	_ =	sdelay $0x1  }
0x8a: {  	s1 =	srdreg.scid  }
0x8b: {  	s0 =	sand.u32 $0x1, s1  }
0x8c: {  	s17 =	sshll.u32 s0, $0xA;
	s2 =	sadd.s32 s3, s2  }
0x8d: {  	s2 =	sadd.s32 s2, s17  }
0x8e: {  	[smem:$0x3FC5] =	sst s2  }
0x8f: {  	_ = 	snop  }
0x90: {  	s2 =	sld [smem:$0x3FC7]  }
0x91: {  	s18 =	sld [smem:$0x3FD0];
	(tm) =	ssettm $0x1  }
0x92: {  	s4 =	sld [smem:$0x3FFB];
	_ =	sdelay $0x3  }
0x93: {  	_ =	strace s4  }
0x94: {  	s4 =	sld [smem:$0x3FFC];
	_ =	sdelay $0x3  }
0x95: {  	_ =	strace s4  }
0x96: {  	s4 =	sld [smem:$0x3FFD];
	_ =	sdelay $0x3  }
0x97: {  	_ =	strace s4  }
0x98: {  	_ =	strace $0x8FFFFFFF  }
0x99: {  	s19 =	sld [smem:$0x3FDB];
	_ =	sdelay $0x1  }
0x9a: {  	s5 =	simm.s32 $_scs_section_size  }
0x9b: {  	s6 =	simm.s32 $_size__tile_overlayer_lowered;
	s7 =	simm.s32 $_tile_overlayer_lowered  }
0x9c: {  	s22 =	simm.s32 $0x1BFF;
	s21 =	sshll.u32 s7, $0x1;
	s4 =	sadd.s32 s5, s19  }
0x9d: {  	s8 =	simm.s32 $0x0;
	s20 =	sshll.u32 s6, $0x1;
	s6 =	sadd.s32 s21, s4  }
0x9e: {  	[timem:s8], [sflag:s22] =	dma.local [hbm:s6], s20  }
0x9f: {  	_ =	swait.ge [sflag:s22], s20  }
0xa0: {  	s5 =	ssub.s32 $0x0, s20;
	[sflag:s22] =	ssyncset.done $0x0  }
0xa1: {  	[sflag:s22] =	ssyncadd.s32 s5;
	_ =	sdelay $0x1  }
0xa2: {  	s23 =	simm.s32 $0x1B8B  }
0xa3: {  	_ =	swait.ge [sflag:s23], $0x1  }
0xa4: {  	[sflag:s23] =	ssyncset.done $0x0  }
0xa5: {  	s25 =	simm.s32 $0x1B8E;
	s24 =	sld [smem:$0x3FFE];
	[sflag:s23] =	ssyncadd.s32 $0xFFFFFFFF  }
0xa6: {  	s26 =	simm.s32 $execute0_lowered;
	[smem:$0x3FD2] =	sst s25  }
0xa7: {  	s6 =	sshll.u32 s26, $0x1;
	_ =	strace $0x80000046;
	[dreg:$0x1] =	wrdreg $0xFFFFFFFF  }
0xa8: {  	s28 =	simm.s32 $_size_execute0_lowered;
	s4 =	sadd.s32 s4, s6;
	[dreg:$0x0] =	wrdreg $0x0  }
0xa9: {  	s6 =	sshll.u32 s28, $0x1;
	[dreg:$0x2] =	wrdreg s4  }
0xaa: {  	[dreg:$0x3] =	wrdreg s6  }
0xab: {  	[dreg:$0x4] =	wrdreg $0xC0  }
0xac: {  	_ =	task [dreg:s8], $0x5FFFF  }
0xad: {  	[dreg:$0x1] =	wrdreg $0xFFFFFFFF  }
0xae: {  	[dreg:$0x0] =	wrdreg $0x60  }
0xaf: {  	[dreg:$0x2] =	wrdreg s24  }
0xb0: {  	[dreg:$0x3] =	wrdreg s2  }
0xb1: {  	[dreg:$0x4] =	wrdreg s18  }
0xb2: {  	[dreg:$0x5] =	wrdreg $0x9  }
0xb3: {  	_ =	task.clear_ibuf [dreg:s8], $0x6FFFF;
	_ =	strace $0x90000046  }
0xb4: {  	s29 =	simm.s32 $0x9;
	_ =	strace $0x80000048  }
0xb5: {  	_ =	swait.ge [sflag:s29], $0x1  }
0xb6: {  	[sflag:s29] =	ssyncadd.s32 $0xFFFFFFFF  }
0xb7: {  	_ =	strace $0x90000048  }
0xb8: {  	_ =	sfence  }
0xb9: {  	s30 =	sld [smem:$0x0];
	_ =	sdelay $0x2  }
0xba: {  	s31 =	sshll.u32 s1, $0xD;
	s1 =	sshrl.u32 s1, $0x2  }
0xbb: {  	s3 =	sand.u32 $0x4000, s31;
	s1 =	sadd.s32 s1, s30  }
0xbc: {  	s0 =	sor.u32 s3, s0;
	s1 =	sshll.u32 s1, $0x11  }
0xbd: {  	s0 =	sor.u32 s1, s0  }
0xbe: {  	s0 =	sadd.s32 $0x8F2B, s0  }
0xbf: {  	[sflag:s0] =	ssyncadd.remote.s32 $0x1  }
0xc0: {  	_ =	sfence.sel $0xFFFF  }
0xc1: {  	[dreg:$0x0] =	wrdreg $0xFFFFFFFF;
	(pc) =	sbr.abs _section_cstart, $3  }
0xc2: {  	[dreg:$0x1] =	wrdreg $0xFFFFFFFF  }
0xc3: {  	_ =	task.clear_ibuf [dreg:s8], $0x2FFFF;
	_ =	strace $0x9FFFFFFF  }
0xc4: {  	(tm) =	ssettm $0x7FFFFFFF  }
0xc5: {  	_ =	shalt  }
tec
execute0_lowered:
.L_overlay_start_1:
0x0: {  	(tag) =	ssettag $0x1  }
0x1: {  	s0 =	rddreg [dreg:$0x0]  }
0x2: {  	s3 =	rddreg [dreg:$0x2]  }
0x3: {  	s1 =	srdreg.scid;
	s8 =	stileid.u32  }
0x4: {  	s4 =	simm.s32 $0x0;
	s9 =	simm.s32 $0x27;
	s18 =	simm.s32 $0x80  }
0x5: {  	s19 =	simm.s32 $0xA00;
	s28 =	simm.s32 $0x3;
	s29 =	simm.s32 $0x2  }
0x6: {  	s30 =	simm.s32 $0x4A00;
	s22 =	simm.s32 $0x10A00;
	s1 =	sand.u32 $0x1, s1  }
0x7: {  	s2 =	sshll.u32 s8, $0x1;
	[smem:$0x7FF] =	sst s4;
	s5 =	sadd.s32 $0x600, s0  }
0x8: {  	s6 =	sadd.s32 $0x14000, s0;
	p0 =	seq.s32 s8, $0x0;
	s8 =	simm.s32 $0x28  }
0x9: {  	s2 =	sor.u32 s1, s2;
	_ =	strace $0x80000047;
	s1 =	ssub.s32 $0x2, s1  }
0xa: {  	s8 =	simm.s32 @!p0 $0x27;
	s9 =	simm.s32 @!p0 $0x26;
	s7 =	smul.u32 $0x27, s2  }
0xb: {  	s2 =	smin.u32 s2, $0x2;
	s23 =	sshrl.u32 s1, $0x1;
	s11 =	sshrl.u32 s8, $0x1  }
0xc: {  	s31 =	sand.u32 $0x1, s8;
	s0 =	ssub.s32 s1, s23;
	s7 =	sadd.s32 s2, s7  }
0xd: {  	s23 =	simm.s32 $0x8A00;
	p0 =	seq.s32 s31, $0x0;
	s24 =	smul.u32 $0x300, s7  }
0xe: {  	s0 =	smax.u32 s0, $0x1;
	s2 =	smul.u32 $0x60, s7;
	s25 =	sadd.s32 s9, s7  }
0xf: {  	s12 =	sadd.s32 $0x1, s7;
	[dreg:$0x7] =	wrdreg s0;
	s1 =	sshrl.u32 s24, $0x3  }
.Ltmp0:
0x10: {  	s9 =	simm.s32 $0x0;
	s1 =	sadd.s32 s6, s1;
	(pc) =	sbr.rel .LBB2_1-.Ltmp0, $4  }
0x11: {  	s26 =	sshll.u32 s25, $0x5;
	s25 =	simm.s32 $0x10B00;
	s1 =	sadd.s32 $0x60, s1  }
0x12: {  	s2 =	sadd.s32 s6, s2;
	[dreg:$0x5] =	wrdreg s1;
	s1 =	sand.u32 $0x1FFFFFE0, s26  }
0x13: {  	v0 =	vlaneseq.u32;
	s24 =	simm.s32 $0x4;
	[dreg:$0x4] =	wrdreg s2;
	s1 =	sadd.s32 s3, s1  }
0x14: {  	v1 =	vmul.u32 $0x40, v0;
	v2 =	vand.u32 $0x7, v0;
	s26 =	simm.s32 $0x700;
	[dreg:$0x6] =	wrdreg s1;
	s1 =	simm.s32 $0xCA00  }
.LBB2_17:
0x15: {  	s0 =	simm.s32 $0x5  }
0x16: {  	_ =	swait.ge [sflag:s0], $0x100  }
0x17: {  	[sflag:s0] =	ssyncset.done $0x0  }
0x18: {  	s2 =	simm.s32 $0x6;
	[sflag:s0] =	ssyncadd.s32 $0xFFFFFF00  }
0x19: {  	_ =	swait.ge [sflag:s2], $0x100  }
0x1a: {  	s9 =	sadd.s32 $0x1, s9;
	s31 =	rddreg [dreg:$0x7]  }
0x1b: {  	p1 =	sne.s32 s9, s31  }
.Ltmp1:
0x1c: {  	_ = 	snop;
	(pc) =	sbr.rel @!p1 .LBB2_18-.Ltmp1, $3  }
0x1d: {  	_ =	sdelay $0x1  }
0x1e: {  	[sflag:s2] =	ssyncset.done $0x0  }
0x1f: {  	[sflag:s2] =	ssyncadd.s32 $0xFFFFFF00  }
.LBB2_1:
0x20: {  	[dreg:$0x8] =	wrdreg s9  }
0x21: {  	s0 =	rddreg [dreg:$0x1];
	s10 =	simm.s32 $0x7  }
0x22: {  	[tilespmem:s4], [sflag:$0x7] =	stream.linear.gather [hbm4b:s0+s4], $0x400, $0x38;
	[tilespmem:$0x10C00] =	vst v63  }
0x23: {  	_ =	swait.ge [sflag:s10], $0x400  }
0x24: {  	s2 =	simm.s32 $0x400;
	[sflag:s10] =	ssyncset.done $0x0  }
0x25: {  	s14 =	simm.s32 $0x1;
	s13 =	rddreg [dreg:$0x4];
	[sflag:s10] =	ssyncadd.s32 $0xFFFFFC00  }
0x26: {  	[tilespmem:s2], [sflag:$0x1] =	stream.linear.gather [hbm4b:s13+s4], $0x300, $0x38;
	[tilespmem:$0x10C00] =	vst v63  }
0x27: {  	_ =	swait.ge [sflag:s14], $0x300  }
0x28: {  	[sflag:s14] =	ssyncset.done $0x0  }
0x29: {  	[sflag:s14] =	ssyncadd.s32 $0xFFFFFD00  }
0x2a: {  	[tilespmem:s19], [sflag:$0x3] =	stream.indirect.gather [hbm4b:s5+s18], $0x40, s2, s18, $0xb8;
	[tilespmem:$0x10C00] =	vst v63  }
0x2b: {  	s15 =	simm.s32 $0x480;
	s16 =	simm.s32 $0x2A00  }
0x2c: {  	[tilespmem:s16], [sflag:$0x3] =	stream.indirect.gather [hbm4b:s5+s18], $0x40, s15, s18, $0xb8;
	[tilespmem:$0x10C00] =	vst v63  }
0x2d: {  	s17 =	simm.s32 $0x500  }
0x2e: {  	[tilespmem:s23], [sflag:$0x3] =	stream.indirect.gather [hbm4b:s5+s18], $0x40, s17, s18, $0xb8;
	[tilespmem:$0x10C00] =	vst v63  }
0x2f: {  	s20 =	simm.s32 $0x580;
	s21 =	simm.s32 $0xAA00  }
0x30: {  	[tilespmem:s21], [sflag:$0x3] =	stream.indirect.gather [hbm4b:s5+s18], $0x40, s20, s18, $0xb8;
	[tilespmem:$0x10C00] =	vst v63  }
0x31: {  	s10 =	simm.s32 $0x0;
	s31 =	rddreg [dreg:$0x5]  }
0x32: {  	[tilespmem:s26], [sflag:$0x2] =	stream.linear.gather [hbm4b:s31+s4], $0x300, $0x38;
	[tilespmem:$0x10C00] =	vst v63  }
.LBB2_2:
0x33: {  	_ =	swait.ge [sflag:s28], $0x2000  }
0x34: {  	[sflag:s28] =	ssyncset.done $0x0  }
0x35: {  	[sflag:s28] =	ssyncadd.s32 $0xFFFFE000  }
0x36: {  	_ =	swait.ge [sflag:s28], $0x2000  }
0x37: {  	[sflag:s28] =	ssyncset.done $0x0  }
0x38: {  	[sflag:s28] =	ssyncadd.s32 $0xFFFFE000  }
0x39: {  	_ =	swait.ge [sflag:s28], $0x2000  }
0x3a: {  	[sflag:s28] =	ssyncset.done $0x0  }
0x3b: {  	[sflag:s28] =	ssyncadd.s32 $0xFFFFE000  }
0x3c: {  	_ =	swait.ge [sflag:s28], $0x2000  }
0x3d: {  	[sflag:s28] =	ssyncset.done $0x0  }
0x3e: {  	[sflag:s28] =	ssyncadd.s32 $0xFFFFE000  }
0x3f: {  	_ =	swait.ge [sflag:s29], $0x300  }
0x40: {  	[sflag:s29] =	ssyncset.done $0x0  }
0x41: {  	[sflag:s29] =	ssyncadd.s32 $0xFFFFFD00  }
0x42: {  	[tilespmem:s30], [sflag:$0x4] =	stream.indirect.gather [hbm4b:s5+s18], $0x40, s26, s18, $0xb8;
	[tilespmem:$0x10C00] =	vst v63  }
0x43: {  	s0 =	simm.s32 $0x780;
	s2 =	simm.s32 $0x6A00  }
0x44: {  	[tilespmem:s2], [sflag:$0x4] =	stream.indirect.gather [hbm4b:s5+s18], $0x40, s0, s18, $0xb8;
	[tilespmem:$0x10C00] =	vst v63  }
0x45: {  	s20 =	simm.s32 $0x800;
	p1 =	seq.s32 s10, $0x0  }
0x46: {  	[tilespmem:s1], [sflag:$0x4] =	stream.indirect.gather [hbm4b:s5+s18], $0x40, s20, s18, $0xb8;
	[tilespmem:$0x10C00] =	vst v63  }
0x47: {  	s21 =	simm.s32 $0x880;
	s31 =	simm.s32 $0xEA00;
	s9 =	simm.s32 @!p1 $0x5  }
0x48: {  	[tilespmem:s31], [sflag:$0x4] =	stream.indirect.gather [hbm4b:s5+s18], $0x40, s21, s18, $0xb8;
	[tilespmem:$0x10C00] =	vst v63  }
0x49: {  	_ =	swait.ge @!p1 [sflag:s9], $0x100  }
0x4a: {  	s14 =	sshll.u32 s10, $0x1;
	s17 =	simm.s32 $0x0;
	[sflag:s9] =	ssyncset.done @!p1 $0x0  }
0x4b: {  	s16 =	simm.s32 $0x0;
	s15 =	sadd.s32 s14, s12;
	[sflag:s9] =	ssyncadd.s32 @!p1 $0xFFFFFF00  }
.LBB2_3:
0x4c: {  	s13 =	sshll.u32 s16, $0x4  }
0x4d: {  	s31 =	simm.s32 $0x6;
	v4 =	vmov s13  }
0x4e: {  	s2 =	simm.s32 $0x5;
	v10 =	vadd.s32 s31, v0;
	v4 =	vshll.u32 v4, $0x6  }
0x4f: {  	s20 =	simm.s32 $0x4;
	v11 =	vadd.s32 s2, v0;
	v14 =	vand.u32 $0x3F, v10;
	v4 =	vor.u32 v1, v4  }
0x50: {  	s21 =	simm.s32 $0x3;
	v3 =	vld [tilespmem:s13+$0x600];
	v10 =	vadd.s32 s20, v0;
	v16 =	vand.u32 $0x3F, v11;
	v21 =	vor.u32 v4, v14  }
0x51: {  	v11 =	vadd.s32 s21, v0;
	v17 =	vand.u32 $0x3F, v10;
	v22 =	vor.u32 v4, v16  }
0x52: {  	v12 =	vand.u32 $0x3F, v11;
	v24 =	vor.u32 v4, v17  }
0x53: {  	v26 =	vor.u32 v4, v12;
	_ =	sdelay $0x1  }
0x54: {  	v6 =	vadd.s32 s17, v0;
	v3 =	vshll.u32 v3, $0x6;
	v28 =	vld.idx.msk [tilespmem:v21+s19+$0x0], $0xffff  }
0x55: {  	v7 =	vand.u32 $0x38, v6;
	s2 =	simm.s32 $0x1;
	v5 =	vor.u32 v2, v3;
	v30 =	vld.idx.msk [tilespmem:v22+s19+$0x0], $0xffff  }
0x56: {  	v10 =	vadd.s32 s2, v0;
	v8 =	vor.u32 v7, v5;
	v31 =	vld.idx.msk [tilespmem:v24+s19+$0x0], $0xffff  }
0x57: {  	v10 =	vand.u32 $0x3F, v10;
	v33 =	vld.idx.msk [tilespmem:v26+s19+$0x0], $0xffff  }
0x58: {  	v6 =	vor.u32 v2, v4;
	v13 =	vor.u32 v4, v10;
	v26 =	vld.idx.msk [tilespmem:v26+s23+$0x0], $0xffff  }
0x59: {  	s9 =	simm.s32 $0x7;
	v7 =	vor.u32 v6, v7;
	v24 =	vld.idx.msk [tilespmem:v24+s23+$0x0], $0xffff  }
0x5a: {  	s0 =	simm.s32 $0x2;
	v29 =	vimm.f32 $0.0e+00;
	v9 =	vadd.s32 s9, v0;
	s9 =	simm.s32 $0xE;
	v22 =	vld.idx.msk [tilespmem:v22+s23+$0x0], $0xffff  }
0x5b: {  	v9 =	vand.u32 $0x3F, v9;
	s20 =	simm.s32 $0x8;
	v18 =	vadd.s32 s9, v0;
	v23 =	vld.idx.msk [tilespmem:v8+s4+$0x0], $0xffff;
	v8 =	vadd.s32 s0, v0  }
0x5c: {  	s21 =	simm.s32 $0xF;
	s9 =	simm.s32 $0x9;
	v11 =	vadd.s32 s20, v0;
	v32 =	vor.u32 v3, v10;
	v21 =	vld.idx.msk [tilespmem:v21+s23+$0x0], $0xffff;
	v8 =	vand.u32 $0x3F, v8  }
0x5d: {  	s2 =	simm.s32 $0xC;
	s20 =	simm.s32 $0xD;
	v19 =	vadd.s32 s21, v0;
	v38 =	vadd.s32 s9, v0;
	v41 =	vld.idx.msk [tilespmem:v13+s19+$0x0], $0xffff;
	v15 =	vor.u32 v4, v8  }
0x5e: {  	s21 =	simm.s32 $0xA;
	v20 =	vor.u32 v4, v9;
	v35 =	vadd.s32 s2, v0;
	v36 =	vadd.s32 s20, v0;
	v25 =	vld.idx.msk [tilespmem:v7+s19+$0x0], $0xffff  }
0x5f: {  	v39 =	vadd.s32 s21, v0;
	v42 =	vand.u32 $0x38, v11;
	v58 =	vor.u32 v3, v16;
	v7 =	vld.idx.msk [tilespmem:v7+s23+$0x0], $0xffff  }
0x60: {  	v11 =	vand.u32 $0x3F, v19;
	v19 =	vor.u32 v6, v42;
	v43 =	vld.idx.msk [tilespmem:v13+s23+$0x0], $0xffff;
	v40 =	vor.u32 v3, v8  }
0x61: {  	v10 =	vand.u32 $0x3F, v18;
	v53 =	vor.u32 v3, v12;
	v18 =	vand.u32 $0x3F, v38;
	v32 =	vld.idx.msk [tilespmem:v32+s4+$0x0], $0xffff  }
0x62: {  	v55 =	vor.u32 v3, v17;
	v56 =	vor.u32 v3, v9;
	v44 =	vor.u32 v42, v5;
	v37 =	vld.idx.msk [tilespmem:v15+s19+$0x0], $0xffff  }
0x63: {  	v9 =	vor.u32 v4, v10;
	v13 =	vand.u32 $0x3F, v36;
	v26 =	vmul.bf16 v26, v33;
	v54 =	vld.idx.msk [tilespmem:v15+s23+$0x0], $0xffff  }
0x64: {  	v16 =	vor.u32 v4, v13;
	v61 =	vld.idx.msk [tilespmem:v58+s4+$0x0], $0xffff;
	s0 =	simm.s32 $0xB;
	v24 =	vmul.bf16 v24, v31;
	v17 =	vmul.bf16 v7, v25  }
0x65: {  	v34 =	vadd.s32 s0, v0;
	v22 =	vmul.bf16 v22, v30;
	v41 =	vmul.bf16 v43, v41;
	v57 =	vld.idx.msk [tilespmem:v40+s4+$0x0], $0xffff  }
0x66: {  	v30 =	vmul.bf16 v21, v28;
	v8 =	vand.u32 $0x3F, v35;
	v23 =	vmul.bf16 v23, v17  }
0x67: {  	v12 =	vand.u32 $0x3F, v34;
	v35 =	vld.idx.msk [tilespmem:v53+s4+$0x0], $0xffff;
	v32 =	vmul.bf16 v32, v41;
	v25 =	vor.u32 v3, v14  }
0x68: {  	v59 =	vunpack.i.u.bf16.f32 v23;
	v23 =	vunpack.i.l.bf16.f32 v23;
	v36 =	vmul.bf16 v54, v37  }
0x69: {  	v34 =	vld.idx.msk [tilespmem:v55+s4+$0x0], $0xffff;
	v28 =	vmul.bf16 v61, v22;
	v23 =	vadd.f32 v23, v29;
	v29 =	vadd.f32 v59, v29  }
0x6a: {  	v60 =	vunpack.i.u.bf16.f32 v32;
	v32 =	vunpack.i.l.bf16.f32 v32;
	v36 =	vmul.bf16 v57, v36  }
0x6b: {  	v27 =	vld.idx.msk [tilespmem:v20+s19+$0x0], $0xffff;
	v7 =	vor.u32 v4, v11;
	v23 =	vadd.f32 v32, v23;
	v29 =	vadd.f32 v60, v29  }
0x6c: {  	v31 =	vld.idx.msk [tilespmem:v20+s23+$0x0], $0xffff;
	v26 =	vmul.bf16 v35, v26;
	v20 =	vunpack.i.u.bf16.f32 v36;
	v62 =	vunpack.i.l.bf16.f32 v36  }
0x6d: {  	v14 =	vor.u32 v4, v8;
	v63 =	vld.idx.msk [tilespmem:v25+s4+$0x0], $0xffff;
	v23 =	vadd.f32 v62, v23;
	v20 =	vadd.f32 v20, v29  }
0x6e: {  	v24 =	vmul.bf16 v34, v24;
	v25 =	vunpack.i.u.bf16.f32 v26;
	v26 =	vunpack.i.l.bf16.f32 v26  }
0x6f: {  	v15 =	vand.u32 $0x3F, v39;
	v26 =	vadd.f32 v26, v23;
	v29 =	vadd.f32 v25, v20;
	v23 =	vld.idx.msk [tilespmem:v56+s4+$0x0], $0xffff  }
0x70: {  	v17 =	vor.u32 v4, v12;
	v21 =	vunpack.i.u.bf16.f32 v24;
	v24 =	vunpack.i.l.bf16.f32 v24  }
0x71: {  	v22 =	vld.idx.msk [tilespmem:v19+s19+$0x0], $0xffff;
	v25 =	vadd.f32 v24, v26;
	v26 =	vadd.f32 v21, v29;
	v24 =	vmul.bf16 v31, v27  }
0x72: {  	s9 =	simm.s32 $0x10;
	v20 =	vld.idx.msk [tilespmem:v44+s4+$0x0], $0xffff;
	v21 =	vunpack.i.u.bf16.f32 v28;
	v28 =	vunpack.i.l.bf16.f32 v28;
	v27 =	vmul.bf16 v63, v30  }
.LBB2_4:
0x73: {  	p2 =	slt.u32 s9, $0x38;
	v29 =	vld.idx.msk [tilespmem:v19+s23+$0x0], $0xffff;
	v19 =	vor.u32 v4, v15;
	v25 =	vadd.f32 v28, v25;
	v26 =	vadd.f32 v21, v26  }
0x74: {  	v23 =	vmul.bf16 v23, v24;
	v21 =	vld.idx.msk [tilespmem:v7+s19+$0x0], $0xffff;
	v28 =	vunpack.i.u.bf16.f32 v27;
	v27 =	vunpack.i.l.bf16.f32 v27  }
0x75: {  	v24 =	vor.u32 v4, v18;
	v30 =	vld.idx.msk [tilespmem:v9+s19+$0x0], $0xffff;
	v25 =	vadd.f32 v27, v25;
	v26 =	vadd.f32 v28, v26  }
0x76: {  	v28 =	vunpack.i.u.bf16.f32 v23;
	v23 =	vunpack.i.l.bf16.f32 v23;
	v27 =	vld.idx.msk [tilespmem:v16+s19+$0x0], $0xffff  }
0x77: {  	v31 =	vadd.s32 s9, v0;
	s0 =	sadd.s32 $0x6, s9;
	s2 =	sadd.s32 $0x7, s9;
	v32 =	vld.idx.msk [tilespmem:v14+s19+$0x0], $0xffff;
	v23 =	vadd.f32 v23, v25;
	v25 =	vadd.f32 v28, v26  }
0x78: {  	s20 =	sadd.s32 $0x3, s9;
	s31 =	sadd.s32 $0x4, s9;
	s21 =	sadd.s32 $0x5, s9;
	v18 =	vor.u32 v3, v18;
	v26 =	vadd.s32 s0, v0;
	v28 =	vadd.s32 s2, v0;
	v33 =	vld.idx.msk [tilespmem:v17+s19+$0x0], $0xffff  }
0x79: {  	v34 =	vadd.s32 s20, v0;
	v35 =	vadd.s32 s31, v0;
	v36 =	vadd.s32 s21, v0;
	s0 =	sadd.s32 $0x1, s9;
	s2 =	sadd.s32 $0x2, s9;
	v37 =	vld.idx.msk [tilespmem:v19+s19+$0x0], $0xffff  }
0x7a: {  	v41 =	vor.u32 v3, v15;
	v38 =	vadd.s32 s0, v0;
	v39 =	vadd.s32 s2, v0;
	v40 =	vld.idx.msk [tilespmem:v24+s19+$0x0], $0xffff  }
0x7b: {  	v31 =	vand.u32 $0x38, v31;
	v26 =	vand.u32 $0x3F, v26;
	v28 =	vand.u32 $0x3F, v28;
	v24 =	vld.idx.msk [tilespmem:v24+s23+$0x0], $0xffff  }
0x7c: {  	v43 =	vor.u32 v3, v12;
	v35 =	vand.u32 $0x3F, v35;
	v36 =	vand.u32 $0x3F, v36;
	v42 =	vld.idx.msk [tilespmem:v19+s23+$0x0], $0xffff  }
0x7d: {  	v44 =	vor.u32 v31, v5;
	v12 =	vand.u32 $0x3F, v34;
	v15 =	vand.u32 $0x3F, v39;
	v34 =	vld.idx.msk [tilespmem:v18+s4+$0x0], $0xffff  }
0x7e: {  	v19 =	vor.u32 v6, v31;
	v18 =	vand.u32 $0x3F, v38;
	v38 =	vor.u32 v3, v8;
	v8 =	vmovc v35;
	v31 =	vld.idx.msk [tilespmem:v17+s23+$0x0], $0xffff  }
0x7f: {  	v35 =	vor.u32 v3, v11;
	v17 =	vmul.bf16 v29, v22;
	v29 =	vor.u32 v3, v10;
	v22 =	vld.idx.msk [tilespmem:v41+s4+$0x0], $0xffff  }
0x80: {  	v13 =	vor.u32 v3, v13;
	v39 =	vor.u32 v4, v26;
	v41 =	vor.u32 v4, v28;
	v45 =	vld.idx.msk [tilespmem:v14+s23+$0x0], $0xffff  }
0x81: {  	v46 =	vor.u32 v4, v36;
	v47 =	vmul.bf16 v20, v17;
	v48 =	vmul.bf16 v24, v40;
	v20 =	vld.idx.msk [tilespmem:v43+s4+$0x0], $0xffff  }
0x82: {  	v17 =	vor.u32 v4, v12;
	v14 =	vor.u32 v4, v8;
	v24 =	vmul.bf16 v42, v37;
	v37 =	vld.idx.msk [tilespmem:v16+s23+$0x0], $0xffff  }
0x83: {  	v11 =	vmovc v28;
	v10 =	vmovc v26;
	v16 =	vunpack.i.u.bf16.f32 v47;
	v40 =	vunpack.i.l.bf16.f32 v47;
	v34 =	vmul.bf16 v34, v48;
	v38 =	vld.idx.msk [tilespmem:v38+s4+$0x0], $0xffff  }
0x84: {  	v23 =	vadd.f32 v40, v23;
	v40 =	vadd.f32 v16, v25;
	v25 =	vmul.bf16 v31, v33;
	v26 =	vld.idx.msk [tilespmem:v9+s23+$0x0], $0xffff  }
0x85: {  	v28 =	vunpack.i.u.bf16.f32 v34;
	v31 =	vunpack.i.l.bf16.f32 v34;
	v22 =	vmul.bf16 v22, v24;
	v9 =	vmovc v39;
	v24 =	vld.idx.msk [tilespmem:v13+s4+$0x0], $0xffff;
	v13 =	vmovc v36  }
0x86: {  	v23 =	vadd.f32 v31, v23;
	v28 =	vadd.f32 v28, v40;
	v31 =	vmul.bf16 v45, v32;
	v32 =	vld.idx.msk [tilespmem:v7+s23+$0x0], $0xffff  }
0x87: {  	v16 =	vmovc v46;
	v33 =	vunpack.i.u.bf16.f32 v22;
	v22 =	vunpack.i.l.bf16.f32 v22;
	v20 =	vmul.bf16 v20, v25;
	v7 =	vmovc v41;
	v29 =	vld.idx.msk [tilespmem:v29+s4+$0x0], $0xffff  }
0x88: {  	v22 =	vadd.f32 v22, v23;
	v25 =	vadd.f32 v33, v28;
	v27 =	vmul.bf16 v37, v27  }
.Ltmp2:
0x89: {  	v28 =	vunpack.i.u.bf16.f32 v20;
	v20 =	vunpack.i.l.bf16.f32 v20;
	v31 =	vmul.bf16 v38, v31;
	v23 =	vld.idx.msk [tilespmem:v35+s4+$0x0], $0xffff;
	(pc) =	sbr.rel @p2 .LBB2_4-.Ltmp2, $4  }
0x8a: {  	v22 =	vadd.f32 v20, v22;
	v28 =	vadd.f32 v28, v25;
	v30 =	vmul.bf16 v26, v30  }
0x8b: {  	v26 =	vunpack.i.u.bf16.f32 v31;
	v25 =	vunpack.i.l.bf16.f32 v31;
	v27 =	vmul.bf16 v24, v27  }
0x8c: {  	v25 =	vadd.f32 v25, v22;
	v26 =	vadd.f32 v26, v28;
	v24 =	vmul.bf16 v32, v21;
	v20 =	vld.idx.msk [tilespmem:v44+s4+$0x0], $0xffff  }
0x8d: {  	s9 =	sadd.s32 $0x8, s9;
	v21 =	vunpack.i.u.bf16.f32 v27;
	v28 =	vunpack.i.l.bf16.f32 v27;
	v27 =	vmul.bf16 v29, v30;
	v22 =	vld.idx.msk [tilespmem:v19+s19+$0x0], $0xffff  }
0x8e: {  	_ =	sdelay $0x3  }
0x8f: {  	v5 =	vld.idx.msk [tilespmem:v19+s23+$0x0], $0xffff  }
0x90: {  	v6 =	vor.u32 v4, v15;
	v41 =	vld.idx.msk [tilespmem:v7+s19+$0x0], $0xffff  }
0x91: {  	v42 =	vor.u32 v4, v18;
	v29 =	vld.idx.msk [tilespmem:v9+s19+$0x0], $0xffff  }
0x92: {  	v30 =	vld.idx.msk [tilespmem:v16+s19+$0x0], $0xffff  }
0x93: {  	v31 =	vld.idx.msk [tilespmem:v14+s19+$0x0], $0xffff  }
0x94: {  	v43 =	vor.u32 v3, v18;
	v32 =	vld.idx.msk [tilespmem:v17+s19+$0x0], $0xffff  }
0x95: {  	v33 =	vld.idx.msk [tilespmem:v6+s19+$0x0], $0xffff  }
0x96: {  	v44 =	vor.u32 v3, v15;
	v34 =	vld.idx.msk [tilespmem:v42+s19+$0x0], $0xffff  }
0x97: {  	v25 =	vadd.f32 v28, v25;
	v21 =	vadd.f32 v21, v26;
	v4 =	vld.idx.msk [tilespmem:v42+s23+$0x0], $0xffff  }
0x98: {  	v23 =	vmul.bf16 v23, v24;
	v12 =	vor.u32 v3, v12;
	v8 =	vor.u32 v3, v8;
	v6 =	vld.idx.msk [tilespmem:v6+s23+$0x0], $0xffff  }
0x99: {  	v13 =	vor.u32 v3, v13;
	v10 =	vor.u32 v3, v10;
	v18 =	vld.idx.msk [tilespmem:v43+s4+$0x0], $0xffff;
	v5 =	vmul.bf16 v5, v22  }
0x9a: {  	v48 =	vld.idx.msk [tilespmem:v17+s23+$0x0], $0xffff;
	v3 =	vor.u32 v3, v11;
	v45 =	vunpack.i.u.bf16.f32 v27;
	v46 =	vunpack.i.l.bf16.f32 v27  }
0x9b: {  	v25 =	vadd.f32 v46, v25;
	v21 =	vadd.f32 v45, v21;
	v15 =	vld.idx.msk [tilespmem:v44+s4+$0x0], $0xffff;
	v5 =	vmul.bf16 v20, v5  }
0x9c: {  	v49 =	vld.idx.msk [tilespmem:v14+s23+$0x0], $0xffff;
	v47 =	vunpack.i.u.bf16.f32 v23;
	v23 =	vunpack.i.l.bf16.f32 v23;
	v4 =	vmul.bf16 v4, v34  }
0x9d: {  	v23 =	vadd.f32 v23, v25;
	v21 =	vadd.f32 v47, v21;
	v50 =	vld.idx.msk [tilespmem:v12+s4+$0x0], $0xffff;
	v52 =	vunpack.i.u.bf16.f32 v5  }
0x9e: {  	v51 =	vld.idx.msk [tilespmem:v16+s23+$0x0], $0xffff;
	v5 =	vunpack.i.l.bf16.f32 v5;
	v6 =	vmul.bf16 v6, v33;
	v4 =	vmul.bf16 v18, v4  }
0x9f: {  	v8 =	vld.idx.msk [tilespmem:v8+s4+$0x0], $0xffff;
	v17 =	vmul.bf16 v48, v32;
	v5 =	vadd.f32 v5, v23;
	v16 =	vadd.f32 v52, v21  }
0xa0: {  	v53 =	vld.idx.msk [tilespmem:v9+s23+$0x0], $0xffff;
	v6 =	vmul.bf16 v15, v6;
	v18 =	vunpack.i.u.bf16.f32 v4;
	v4 =	vunpack.i.l.bf16.f32 v4  }
0xa1: {  	v13 =	vld.idx.msk [tilespmem:v13+s4+$0x0], $0xffff;
	v14 =	vmul.bf16 v49, v31;
	v4 =	vadd.f32 v4, v5;
	v54 =	vadd.f32 v18, v16  }
0xa2: {  	v55 =	vld.idx.msk [tilespmem:v7+s23+$0x0], $0xffff;
	v11 =	vmul.bf16 v50, v17;
	v15 =	vunpack.i.u.bf16.f32 v6;
	v6 =	vunpack.i.l.bf16.f32 v6  }
0xa3: {  	v10 =	vld.idx.msk [tilespmem:v10+s4+$0x0], $0xffff;
	v56 =	vmul.bf16 v51, v30;
	v4 =	vadd.f32 v6, v4;
	v5 =	vadd.f32 v15, v54  }
0xa4: {  	v8 =	vmul.bf16 v8, v14;
	v57 =	vunpack.i.u.bf16.f32 v11;
	v11 =	vunpack.i.l.bf16.f32 v11  }
0xa5: {  	v3 =	vld.idx.msk [tilespmem:v3+s4+$0x0], $0xffff;
	v9 =	vmul.bf16 v53, v29;
	v4 =	vadd.f32 v11, v4;
	v5 =	vadd.f32 v57, v5  }
0xa6: {  	v58 =	vunpack.i.u.bf16.f32 v8;
	v8 =	vunpack.i.l.bf16.f32 v8;
	v6 =	vmul.bf16 v13, v56  }
0xa7: {  	v7 =	vmul.bf16 v55, v41;
	v4 =	vadd.f32 v8, v4;
	v5 =	vadd.f32 v58, v5  }
0xa8: {  	v9 =	vmul.bf16 v10, v9;
	v59 =	vunpack.i.u.bf16.f32 v6;
	v6 =	vunpack.i.l.bf16.f32 v6  }
0xa9: {  	v4 =	vadd.f32 v6, v4;
	v5 =	vadd.f32 v59, v5  }
0xaa: {  	v3 =	vmul.bf16 v3, v7;
	v60 =	vunpack.i.u.bf16.f32 v9;
	v61 =	vunpack.i.l.bf16.f32 v9  }
0xab: {  	v4 =	vadd.f32 v61, v4;
	v5 =	vadd.f32 v60, v5  }
0xac: {  	v62 =	vunpack.i.u.bf16.f32 v3;
	v3 =	vunpack.i.l.bf16.f32 v3  }
0xad: {  	s16 =	sadd.s32 $0x1, s16;
	v3 =	vadd.f32 v3, v4;
	v63 =	vadd.f32 v62, v5  }
0xae: {  	p2 =	sne.s32 s16, $0x10  }
.Ltmp3:
0xaf: {  	v3 =	vadd.f32 v63, v3;
	(pc) =	sbr.rel @p2 .LBB2_3-.Ltmp3, $3  }
0xb0: {  	_ = 	snop  }
0xb1: {  	v3 =	vmul.f32 $7.812500000e-03, v3;
	_ =	sdelay $0x1  }
0xb2: {  	[tilespmem:s13+$0x10A00] =	vst v3  }
0xb3: {  	s0 =	sadd.s32 s7, s14;
	s2 =	sadd.s32 $0x2, s14  }
0xb4: {  	s0 =	sshll.u32 s0, $0x5;
	p2 =	sge.u32 s2, s8  }
0xb5: {  	s0 =	sand.u32 $0x1FFFFFE0, s0;
	s2 =	sadd.s32 @!p2 s7, s2  }
0xb6: {  	s0 =	sadd.s32 s3, s0;
	s2 =	smul.u32 @!p2 $0x60, s2  }
0xb7: {  	[hbm4b:s0+s4] =	stream.linear.scatter [tilespmem:s22], [sflag:$0x5], $0x100, $0x38;
	[tilespmem:$0x10C00] =	vst v63  }
0xb8: {  	s9 =	simm.s32 @!p2 $0x400;
	s0 =	sadd.s32 @!p2 s6, s2;
	s2 =	simm.s32 @!p2 $0x0  }
0xb9: {  	[tilespmem:s9], [sflag:$0x1] =	stream.linear.gather @!p2 [hbm4b:s0+s2], $0x300, $0x38;
	[tilespmem:$0x10C00] =	vst v63  }
0xba: {  	_ =	swait.ge [sflag:s24], $0x2000  }
0xbb: {  	[sflag:s24] =	ssyncset.done $0x0  }
0xbc: {  	[sflag:s24] =	ssyncadd.s32 $0xFFFFE000  }
0xbd: {  	_ =	swait.ge [sflag:s24], $0x2000  }
0xbe: {  	[sflag:s24] =	ssyncset.done $0x0  }
0xbf: {  	[sflag:s24] =	ssyncadd.s32 $0xFFFFE000  }
0xc0: {  	_ =	swait.ge [sflag:s24], $0x2000  }
0xc1: {  	[sflag:s24] =	ssyncset.done $0x0  }
0xc2: {  	[sflag:s24] =	ssyncadd.s32 $0xFFFFE000  }
0xc3: {  	_ =	swait.ge [sflag:s24], $0x2000  }
0xc4: {  	[sflag:s24] =	ssyncset.done $0x0  }
0xc5: {  	s0 =	simm.s32 @!p2 $0x1;
	[sflag:s24] =	ssyncadd.s32 $0xFFFFE000  }
0xc6: {  	_ =	swait.ge @!p2 [sflag:s0], $0x300  }
0xc7: {  	[sflag:s0] =	ssyncset.done @!p2 $0x0  }
0xc8: {  	s2 =	simm.s32 @!p2 $0xA00;
	[sflag:s0] =	ssyncadd.s32 @!p2 $0xFFFFFD00;
	s0 =	simm.s32 @!p2 $0x80  }
0xc9: {  	[tilespmem:s2], [sflag:$0x3] =	stream.indirect.gather @!p2 [hbm4b:s5+s0], $0x40, s9, s0, $0xb8;
	[tilespmem:$0x10C00] =	vst v63  }
0xca: {  	s2 =	simm.s32 @!p2 $0x480;
	s9 =	simm.s32 @!p2 $0x2A00  }
0xcb: {  	[tilespmem:s9], [sflag:$0x3] =	stream.indirect.gather @!p2 [hbm4b:s5+s0], $0x40, s2, s0, $0xb8;
	[tilespmem:$0x10C00] =	vst v63  }
0xcc: {  	s2 =	simm.s32 @!p2 $0x500;
	s9 =	simm.s32 @!p2 $0x8A00  }
0xcd: {  	[tilespmem:s9], [sflag:$0x3] =	stream.indirect.gather @!p2 [hbm4b:s5+s0], $0x40, s2, s0, $0xb8;
	[tilespmem:$0x10C00] =	vst v63  }
0xce: {  	s2 =	simm.s32 @!p2 $0x580;
	s9 =	simm.s32 @!p2 $0xAA00  }
0xcf: {  	[tilespmem:s9], [sflag:$0x3] =	stream.indirect.gather @!p2 [hbm4b:s5+s0], $0x40, s2, s0, $0xb8;
	[tilespmem:$0x10C00] =	vst v63  }
0xd0: {  	s0 =	simm.s32 @!p1 $0x6  }
0xd1: {  	_ =	swait.ge @!p1 [sflag:s0], $0x100  }
0xd2: {  	[sflag:s0] =	ssyncset.done @!p1 $0x0  }
0xd3: {  	s17 =	simm.s32 $0x0;
	s16 =	simm.s32 $0x0;
	[sflag:s0] =	ssyncadd.s32 @!p1 $0xFFFFFF00  }
.LBB2_7:
0xd4: {  	s13 =	sshll.u32 s16, $0x4  }
0xd5: {  	s2 =	simm.s32 $0x6;
	v4 =	vmov s13  }
0xd6: {  	s21 =	simm.s32 $0x5;
	v10 =	vadd.s32 s2, v0;
	v4 =	vshll.u32 v4, $0x6  }
0xd7: {  	s31 =	simm.s32 $0x4;
	v11 =	vadd.s32 s21, v0;
	v14 =	vand.u32 $0x3F, v10;
	v4 =	vor.u32 v1, v4  }
0xd8: {  	s9 =	simm.s32 $0x3;
	v3 =	vld [tilespmem:s13+$0x900];
	v10 =	vadd.s32 s31, v0;
	v16 =	vand.u32 $0x3F, v11;
	v21 =	vor.u32 v4, v14  }
0xd9: {  	v11 =	vadd.s32 s9, v0;
	v17 =	vand.u32 $0x3F, v10;
	v22 =	vor.u32 v4, v16  }
0xda: {  	v12 =	vand.u32 $0x3F, v11;
	v24 =	vor.u32 v4, v17  }
0xdb: {  	v26 =	vor.u32 v4, v12;
	_ =	sdelay $0x1  }
0xdc: {  	v6 =	vadd.s32 s17, v0;
	v3 =	vshll.u32 v3, $0x6;
	v28 =	vld.idx.msk [tilespmem:v21+s30+$0x0], $0xffff  }
0xdd: {  	v7 =	vand.u32 $0x38, v6;
	s21 =	simm.s32 $0x1;
	v5 =	vor.u32 v2, v3;
	v30 =	vld.idx.msk [tilespmem:v22+s30+$0x0], $0xffff  }
0xde: {  	v10 =	vadd.s32 s21, v0;
	v8 =	vor.u32 v7, v5;
	v31 =	vld.idx.msk [tilespmem:v24+s30+$0x0], $0xffff  }
0xdf: {  	v10 =	vand.u32 $0x3F, v10;
	v33 =	vld.idx.msk [tilespmem:v26+s30+$0x0], $0xffff  }
0xe0: {  	v6 =	vor.u32 v2, v4;
	v13 =	vor.u32 v4, v10;
	v26 =	vld.idx.msk [tilespmem:v26+s1+$0x0], $0xffff  }
0xe1: {  	s0 =	simm.s32 $0x7;
	v7 =	vor.u32 v6, v7;
	v24 =	vld.idx.msk [tilespmem:v24+s1+$0x0], $0xffff  }
0xe2: {  	s20 =	simm.s32 $0x2;
	v29 =	vimm.f32 $0.0e+00;
	v9 =	vadd.s32 s0, v0;
	s2 =	simm.s32 $0xE;
	v22 =	vld.idx.msk [tilespmem:v22+s1+$0x0], $0xffff  }
0xe3: {  	v9 =	vand.u32 $0x3F, v9;
	s31 =	simm.s32 $0x8;
	v18 =	vadd.s32 s2, v0;
	v23 =	vld.idx.msk [tilespmem:v8+s4+$0x0], $0xffff;
	v8 =	vadd.s32 s20, v0  }
0xe4: {  	s9 =	simm.s32 $0xB;
	s2 =	simm.s32 $0x9;
	v11 =	vadd.s32 s31, v0;
	v32 =	vor.u32 v3, v10;
	v21 =	vld.idx.msk [tilespmem:v21+s1+$0x0], $0xffff;
	v8 =	vand.u32 $0x3F, v8  }
0xe5: {  	s31 =	simm.s32 $0xF;
	s21 =	simm.s32 $0xD;
	v34 =	vadd.s32 s9, v0;
	v38 =	vadd.s32 s2, v0;
	v41 =	vld.idx.msk [tilespmem:v13+s30+$0x0], $0xffff;
	v15 =	vor.u32 v4, v8  }
0xe6: {  	v20 =	vor.u32 v4, v9;
	v19 =	vadd.s32 s31, v0;
	s31 =	simm.s32 $0xA;
	v36 =	vadd.s32 s21, v0;
	v25 =	vld.idx.msk [tilespmem:v7+s30+$0x0], $0xffff  }
0xe7: {  	v42 =	vand.u32 $0x38, v11;
	v39 =	vadd.s32 s31, v0;
	v55 =	vor.u32 v3, v17;
	v7 =	vld.idx.msk [tilespmem:v7+s1+$0x0], $0xffff  }
0xe8: {  	v11 =	vand.u32 $0x3F, v19;
	v19 =	vor.u32 v6, v42;
	v43 =	vld.idx.msk [tilespmem:v13+s1+$0x0], $0xffff;
	v40 =	vor.u32 v3, v8  }
0xe9: {  	v10 =	vand.u32 $0x3F, v18;
	v53 =	vor.u32 v3, v12;
	v58 =	vor.u32 v3, v16;
	v32 =	vld.idx.msk [tilespmem:v32+s4+$0x0], $0xffff  }
0xea: {  	v12 =	vand.u32 $0x3F, v34;
	v18 =	vand.u32 $0x3F, v38;
	v56 =	vor.u32 v3, v9;
	v37 =	vld.idx.msk [tilespmem:v15+s30+$0x0], $0xffff  }
0xeb: {  	v44 =	vor.u32 v42, v5;
	v9 =	vor.u32 v4, v10;
	v26 =	vmul.bf16 v26, v33;
	v54 =	vld.idx.msk [tilespmem:v15+s1+$0x0], $0xffff  }
0xec: {  	v13 =	vand.u32 $0x3F, v36;
	v34 =	vld.idx.msk [tilespmem:v55+s4+$0x0], $0xffff;
	v24 =	vmul.bf16 v24, v31;
	v17 =	vmul.bf16 v7, v25  }
0xed: {  	v16 =	vor.u32 v4, v13;
	s20 =	simm.s32 $0xC;
	v22 =	vmul.bf16 v22, v30;
	v41 =	vmul.bf16 v43, v41;
	v57 =	vld.idx.msk [tilespmem:v40+s4+$0x0], $0xffff  }
0xee: {  	v61 =	vld.idx.msk [tilespmem:v58+s4+$0x0], $0xffff;
	v35 =	vadd.s32 s20, v0;
	v30 =	vmul.bf16 v21, v28;
	v23 =	vmul.bf16 v23, v17  }
0xef: {  	v8 =	vand.u32 $0x3F, v35;
	v35 =	vld.idx.msk [tilespmem:v53+s4+$0x0], $0xffff;
	v32 =	vmul.bf16 v32, v41;
	v25 =	vor.u32 v3, v14  }
0xf0: {  	v59 =	vunpack.i.u.bf16.f32 v23;
	v23 =	vunpack.i.l.bf16.f32 v23;
	v36 =	vmul.bf16 v54, v37  }
0xf1: {  	v24 =	vmul.bf16 v34, v24;
	v23 =	vadd.f32 v23, v29;
	v29 =	vadd.f32 v59, v29  }
0xf2: {  	v60 =	vunpack.i.u.bf16.f32 v32;
	v32 =	vunpack.i.l.bf16.f32 v32;
	v36 =	vmul.bf16 v57, v36  }
0xf3: {  	v27 =	vld.idx.msk [tilespmem:v20+s30+$0x0], $0xffff;
	v28 =	vmul.bf16 v61, v22;
	v23 =	vadd.f32 v32, v23;
	v29 =	vadd.f32 v60, v29  }
0xf4: {  	v31 =	vld.idx.msk [tilespmem:v20+s1+$0x0], $0xffff;
	v26 =	vmul.bf16 v35, v26;
	v20 =	vunpack.i.u.bf16.f32 v36;
	v62 =	vunpack.i.l.bf16.f32 v36  }
0xf5: {  	v7 =	vor.u32 v4, v11;
	v63 =	vld.idx.msk [tilespmem:v25+s4+$0x0], $0xffff;
	v23 =	vadd.f32 v62, v23;
	v20 =	vadd.f32 v20, v29  }
0xf6: {  	v14 =	vor.u32 v4, v8;
	v25 =	vunpack.i.u.bf16.f32 v26;
	v26 =	vunpack.i.l.bf16.f32 v26  }
0xf7: {  	v21 =	vunpack.i.u.bf16.f32 v24;
	v26 =	vadd.f32 v26, v23;
	v29 =	vadd.f32 v25, v20;
	v23 =	vld.idx.msk [tilespmem:v56+s4+$0x0], $0xffff  }
0xf8: {  	v24 =	vunpack.i.l.bf16.f32 v24;
	v15 =	vand.u32 $0x3F, v39;
	v17 =	vor.u32 v4, v12  }
0xf9: {  	v22 =	vld.idx.msk [tilespmem:v19+s30+$0x0], $0xffff;
	v25 =	vadd.f32 v24, v26;
	v26 =	vadd.f32 v21, v29;
	v24 =	vmul.bf16 v31, v27  }
0xfa: {  	s9 =	simm.s32 $0x10;
	v20 =	vld.idx.msk [tilespmem:v44+s4+$0x0], $0xffff;
	v21 =	vunpack.i.u.bf16.f32 v28;
	v28 =	vunpack.i.l.bf16.f32 v28;
	v27 =	vmul.bf16 v63, v30  }
.LBB2_8:
0xfb: {  	p1 =	slt.u32 s9, $0x38;
	v29 =	vld.idx.msk [tilespmem:v19+s1+$0x0], $0xffff;
	v19 =	vor.u32 v4, v15;
	v25 =	vadd.f32 v28, v25;
	v26 =	vadd.f32 v21, v26  }
0xfc: {  	v23 =	vmul.bf16 v23, v24;
	v21 =	vld.idx.msk [tilespmem:v7+s30+$0x0], $0xffff;
	v28 =	vunpack.i.u.bf16.f32 v27;
	v27 =	vunpack.i.l.bf16.f32 v27  }
0xfd: {  	v24 =	vor.u32 v4, v18;
	v30 =	vld.idx.msk [tilespmem:v9+s30+$0x0], $0xffff;
	v25 =	vadd.f32 v27, v25;
	v26 =	vadd.f32 v28, v26  }
0xfe: {  	v28 =	vunpack.i.u.bf16.f32 v23;
	v23 =	vunpack.i.l.bf16.f32 v23;
	v27 =	vld.idx.msk [tilespmem:v16+s30+$0x0], $0xffff  }
0xff: {  	v31 =	vadd.s32 s9, v0;
	s0 =	sadd.s32 $0x6, s9;
	s2 =	sadd.s32 $0x7, s9;
	v32 =	vld.idx.msk [tilespmem:v14+s30+$0x0], $0xffff;
	v23 =	vadd.f32 v23, v25;
	v25 =	vadd.f32 v28, v26  }
0x100: {  	s20 =	sadd.s32 $0x3, s9;
	s21 =	sadd.s32 $0x4, s9;
	s31 =	sadd.s32 $0x5, s9;
	v18 =	vor.u32 v3, v18;
	v26 =	vadd.s32 s0, v0;
	v28 =	vadd.s32 s2, v0;
	v33 =	vld.idx.msk [tilespmem:v17+s30+$0x0], $0xffff  }
0x101: {  	v34 =	vadd.s32 s20, v0;
	v35 =	vadd.s32 s21, v0;
	v36 =	vadd.s32 s31, v0;
	s0 =	sadd.s32 $0x1, s9;
	s2 =	sadd.s32 $0x2, s9;
	v37 =	vld.idx.msk [tilespmem:v19+s30+$0x0], $0xffff  }
0x102: {  	v41 =	vor.u32 v3, v15;
	v38 =	vadd.s32 s0, v0;
	v39 =	vadd.s32 s2, v0;
	v40 =	vld.idx.msk [tilespmem:v24+s30+$0x0], $0xffff  }
0x103: {  	v31 =	vand.u32 $0x38, v31;
	v26 =	vand.u32 $0x3F, v26;
	v28 =	vand.u32 $0x3F, v28;
	v24 =	vld.idx.msk [tilespmem:v24+s1+$0x0], $0xffff  }
0x104: {  	v43 =	vor.u32 v3, v12;
	v35 =	vand.u32 $0x3F, v35;
	v36 =	vand.u32 $0x3F, v36;
	v42 =	vld.idx.msk [tilespmem:v19+s1+$0x0], $0xffff  }
0x105: {  	v44 =	vor.u32 v31, v5;
	v12 =	vand.u32 $0x3F, v34;
	v15 =	vand.u32 $0x3F, v39;
	v34 =	vld.idx.msk [tilespmem:v18+s4+$0x0], $0xffff  }
0x106: {  	v19 =	vor.u32 v6, v31;
	v18 =	vand.u32 $0x3F, v38;
	v38 =	vor.u32 v3, v8;
	v8 =	vmovc v35;
	v31 =	vld.idx.msk [tilespmem:v17+s1+$0x0], $0xffff  }
0x107: {  	v35 =	vor.u32 v3, v11;
	v17 =	vmul.bf16 v29, v22;
	v29 =	vor.u32 v3, v10;
	v22 =	vld.idx.msk [tilespmem:v41+s4+$0x0], $0xffff  }
0x108: {  	v13 =	vor.u32 v3, v13;
	v39 =	vor.u32 v4, v26;
	v41 =	vor.u32 v4, v28;
	v45 =	vld.idx.msk [tilespmem:v14+s1+$0x0], $0xffff  }
0x109: {  	v46 =	vor.u32 v4, v36;
	v47 =	vmul.bf16 v20, v17;
	v48 =	vmul.bf16 v24, v40;
	v20 =	vld.idx.msk [tilespmem:v43+s4+$0x0], $0xffff  }
0x10a: {  	v17 =	vor.u32 v4, v12;
	v14 =	vor.u32 v4, v8;
	v24 =	vmul.bf16 v42, v37;
	v37 =	vld.idx.msk [tilespmem:v16+s1+$0x0], $0xffff  }
0x10b: {  	v11 =	vmovc v28;
	v10 =	vmovc v26;
	v16 =	vunpack.i.u.bf16.f32 v47;
	v40 =	vunpack.i.l.bf16.f32 v47;
	v34 =	vmul.bf16 v34, v48;
	v38 =	vld.idx.msk [tilespmem:v38+s4+$0x0], $0xffff  }
0x10c: {  	v23 =	vadd.f32 v40, v23;
	v40 =	vadd.f32 v16, v25;
	v25 =	vmul.bf16 v31, v33;
	v26 =	vld.idx.msk [tilespmem:v9+s1+$0x0], $0xffff  }
0x10d: {  	v28 =	vunpack.i.u.bf16.f32 v34;
	v31 =	vunpack.i.l.bf16.f32 v34;
	v22 =	vmul.bf16 v22, v24;
	v9 =	vmovc v39;
	v24 =	vld.idx.msk [tilespmem:v13+s4+$0x0], $0xffff;
	v13 =	vmovc v36  }
0x10e: {  	v23 =	vadd.f32 v31, v23;
	v28 =	vadd.f32 v28, v40;
	v31 =	vmul.bf16 v45, v32;
	v32 =	vld.idx.msk [tilespmem:v7+s1+$0x0], $0xffff  }
0x10f: {  	v16 =	vmovc v46;
	v33 =	vunpack.i.u.bf16.f32 v22;
	v22 =	vunpack.i.l.bf16.f32 v22;
	v20 =	vmul.bf16 v20, v25;
	v7 =	vmovc v41;
	v29 =	vld.idx.msk [tilespmem:v29+s4+$0x0], $0xffff  }
0x110: {  	v22 =	vadd.f32 v22, v23;
	v25 =	vadd.f32 v33, v28;
	v27 =	vmul.bf16 v37, v27  }
.Ltmp4:
0x111: {  	v28 =	vunpack.i.u.bf16.f32 v20;
	v20 =	vunpack.i.l.bf16.f32 v20;
	v31 =	vmul.bf16 v38, v31;
	v23 =	vld.idx.msk [tilespmem:v35+s4+$0x0], $0xffff;
	(pc) =	sbr.rel @p1 .LBB2_8-.Ltmp4, $4  }
0x112: {  	v22 =	vadd.f32 v20, v22;
	v28 =	vadd.f32 v28, v25;
	v30 =	vmul.bf16 v26, v30  }
0x113: {  	v26 =	vunpack.i.u.bf16.f32 v31;
	v25 =	vunpack.i.l.bf16.f32 v31;
	v27 =	vmul.bf16 v24, v27  }
0x114: {  	v25 =	vadd.f32 v25, v22;
	v26 =	vadd.f32 v26, v28;
	v24 =	vmul.bf16 v32, v21;
	v20 =	vld.idx.msk [tilespmem:v44+s4+$0x0], $0xffff  }
0x115: {  	s9 =	sadd.s32 $0x8, s9;
	v21 =	vunpack.i.u.bf16.f32 v27;
	v28 =	vunpack.i.l.bf16.f32 v27;
	v27 =	vmul.bf16 v29, v30;
	v22 =	vld.idx.msk [tilespmem:v19+s30+$0x0], $0xffff  }
0x116: {  	_ =	sdelay $0x3  }
0x117: {  	v5 =	vld.idx.msk [tilespmem:v19+s1+$0x0], $0xffff  }
0x118: {  	v6 =	vor.u32 v4, v15;
	v41 =	vld.idx.msk [tilespmem:v7+s30+$0x0], $0xffff  }
0x119: {  	v42 =	vor.u32 v4, v18;
	v29 =	vld.idx.msk [tilespmem:v9+s30+$0x0], $0xffff  }
0x11a: {  	v30 =	vld.idx.msk [tilespmem:v16+s30+$0x0], $0xffff  }
0x11b: {  	v31 =	vld.idx.msk [tilespmem:v14+s30+$0x0], $0xffff  }
0x11c: {  	v43 =	vor.u32 v3, v18;
	v32 =	vld.idx.msk [tilespmem:v17+s30+$0x0], $0xffff  }
0x11d: {  	v33 =	vld.idx.msk [tilespmem:v6+s30+$0x0], $0xffff  }
0x11e: {  	v44 =	vor.u32 v3, v15;
	v34 =	vld.idx.msk [tilespmem:v42+s30+$0x0], $0xffff  }
0x11f: {  	v25 =	vadd.f32 v28, v25;
	v21 =	vadd.f32 v21, v26;
	v4 =	vld.idx.msk [tilespmem:v42+s1+$0x0], $0xffff  }
0x120: {  	v23 =	vmul.bf16 v23, v24;
	v12 =	vor.u32 v3, v12;
	v8 =	vor.u32 v3, v8;
	v6 =	vld.idx.msk [tilespmem:v6+s1+$0x0], $0xffff  }
0x121: {  	v13 =	vor.u32 v3, v13;
	v10 =	vor.u32 v3, v10;
	v18 =	vld.idx.msk [tilespmem:v43+s4+$0x0], $0xffff;
	v5 =	vmul.bf16 v5, v22  }
0x122: {  	v48 =	vld.idx.msk [tilespmem:v17+s1+$0x0], $0xffff;
	v3 =	vor.u32 v3, v11;
	v45 =	vunpack.i.u.bf16.f32 v27;
	v46 =	vunpack.i.l.bf16.f32 v27  }
0x123: {  	v25 =	vadd.f32 v46, v25;
	v21 =	vadd.f32 v45, v21;
	v15 =	vld.idx.msk [tilespmem:v44+s4+$0x0], $0xffff;
	v5 =	vmul.bf16 v20, v5  }
0x124: {  	v49 =	vld.idx.msk [tilespmem:v14+s1+$0x0], $0xffff;
	v47 =	vunpack.i.u.bf16.f32 v23;
	v23 =	vunpack.i.l.bf16.f32 v23;
	v4 =	vmul.bf16 v4, v34  }
0x125: {  	v23 =	vadd.f32 v23, v25;
	v21 =	vadd.f32 v47, v21;
	v50 =	vld.idx.msk [tilespmem:v12+s4+$0x0], $0xffff;
	v52 =	vunpack.i.u.bf16.f32 v5  }
0x126: {  	v51 =	vld.idx.msk [tilespmem:v16+s1+$0x0], $0xffff;
	v5 =	vunpack.i.l.bf16.f32 v5;
	v6 =	vmul.bf16 v6, v33;
	v4 =	vmul.bf16 v18, v4  }
0x127: {  	v8 =	vld.idx.msk [tilespmem:v8+s4+$0x0], $0xffff;
	v17 =	vmul.bf16 v48, v32;
	v5 =	vadd.f32 v5, v23;
	v16 =	vadd.f32 v52, v21  }
0x128: {  	v53 =	vld.idx.msk [tilespmem:v9+s1+$0x0], $0xffff;
	v6 =	vmul.bf16 v15, v6;
	v18 =	vunpack.i.u.bf16.f32 v4;
	v4 =	vunpack.i.l.bf16.f32 v4  }
0x129: {  	v13 =	vld.idx.msk [tilespmem:v13+s4+$0x0], $0xffff;
	v14 =	vmul.bf16 v49, v31;
	v4 =	vadd.f32 v4, v5;
	v54 =	vadd.f32 v18, v16  }
0x12a: {  	v55 =	vld.idx.msk [tilespmem:v7+s1+$0x0], $0xffff;
	v11 =	vmul.bf16 v50, v17;
	v15 =	vunpack.i.u.bf16.f32 v6;
	v6 =	vunpack.i.l.bf16.f32 v6  }
0x12b: {  	v10 =	vld.idx.msk [tilespmem:v10+s4+$0x0], $0xffff;
	v56 =	vmul.bf16 v51, v30;
	v4 =	vadd.f32 v6, v4;
	v5 =	vadd.f32 v15, v54  }
0x12c: {  	v8 =	vmul.bf16 v8, v14;
	v57 =	vunpack.i.u.bf16.f32 v11;
	v11 =	vunpack.i.l.bf16.f32 v11  }
0x12d: {  	v3 =	vld.idx.msk [tilespmem:v3+s4+$0x0], $0xffff;
	v9 =	vmul.bf16 v53, v29;
	v4 =	vadd.f32 v11, v4;
	v5 =	vadd.f32 v57, v5  }
0x12e: {  	v58 =	vunpack.i.u.bf16.f32 v8;
	v8 =	vunpack.i.l.bf16.f32 v8;
	v6 =	vmul.bf16 v13, v56  }
0x12f: {  	v7 =	vmul.bf16 v55, v41;
	v4 =	vadd.f32 v8, v4;
	v5 =	vadd.f32 v58, v5  }
0x130: {  	v9 =	vmul.bf16 v10, v9;
	v59 =	vunpack.i.u.bf16.f32 v6;
	v6 =	vunpack.i.l.bf16.f32 v6  }
0x131: {  	v4 =	vadd.f32 v6, v4;
	v5 =	vadd.f32 v59, v5  }
0x132: {  	v3 =	vmul.bf16 v3, v7;
	v60 =	vunpack.i.u.bf16.f32 v9;
	v61 =	vunpack.i.l.bf16.f32 v9  }
0x133: {  	v4 =	vadd.f32 v61, v4;
	v5 =	vadd.f32 v60, v5  }
0x134: {  	v62 =	vunpack.i.u.bf16.f32 v3;
	v3 =	vunpack.i.l.bf16.f32 v3  }
0x135: {  	s16 =	sadd.s32 $0x1, s16;
	v3 =	vadd.f32 v3, v4;
	v63 =	vadd.f32 v62, v5  }
0x136: {  	p1 =	sne.s32 s16, $0x10  }
.Ltmp5:
0x137: {  	v3 =	vadd.f32 v63, v3;
	(pc) =	sbr.rel @p1 .LBB2_7-.Ltmp5, $3  }
0x138: {  	_ = 	snop  }
0x139: {  	v3 =	vmul.f32 $7.812500000e-03, v3;
	_ =	sdelay $0x1  }
0x13a: {  	[tilespmem:s13+$0x10B00] =	vst v3  }
0x13b: {  	s0 =	sadd.s32 $0x3, s14  }
0x13c: {  	s2 =	sshll.u32 s15, $0x5;
	p1 =	sge.u32 s0, s8  }
0x13d: {  	s2 =	sand.u32 $0x1FFFFFE0, s2;
	s0 =	sadd.s32 @!p1 s7, s0  }
0x13e: {  	s10 =	sadd.s32 $0x1, s10;
	s2 =	sadd.s32 s3, s2;
	s0 =	smul.u32 @!p1 $0x60, s0  }
0x13f: {  	[hbm4b:s2+s4] =	stream.linear.scatter [tilespmem:s25], [sflag:$0x6], $0x100, $0x38;
	[tilespmem:$0x10C00] =	vst v63  }
0x140: {  	s9 =	simm.s32 @!p1 $0x700;
	s2 =	simm.s32 @!p1 $0x0;
	s0 =	sadd.s32 @!p1 s6, s0  }
0x141: {  	[tilespmem:s9], [sflag:$0x2] =	stream.linear.gather @!p1 [hbm4b:s0+s2], $0x300, $0x38;
	[tilespmem:$0x10C00] =	vst v63  }
0x142: {  	p1 =	sne.s32 s10, s11  }
.Ltmp6:
0x143: {  	_ = 	snop;
	(pc) =	sbr.rel @p1 .LBB2_2-.Ltmp6, $1  }
0x144: {  	_ =	sdelay $0x3  }
.Ltmp7:
0x145: {  	(pc) =	sbr.rel @p0 .LBB2_17-.Ltmp7, $2  }
0x146: {  	_ =	sdelay $0x2  }
0x147: {  	s9 =	rddreg [dreg:$0x8]  }
0x148: {  	_ =	swait.ge [sflag:s28], $0x2000  }
0x149: {  	[sflag:s28] =	ssyncset.done $0x0  }
0x14a: {  	[sflag:s28] =	ssyncadd.s32 $0xFFFFE000  }
0x14b: {  	_ =	swait.ge [sflag:s28], $0x2000  }
0x14c: {  	[sflag:s28] =	ssyncset.done $0x0  }
0x14d: {  	[sflag:s28] =	ssyncadd.s32 $0xFFFFE000  }
0x14e: {  	_ =	swait.ge [sflag:s28], $0x2000  }
0x14f: {  	[sflag:s28] =	ssyncset.done $0x0  }
0x150: {  	[sflag:s28] =	ssyncadd.s32 $0xFFFFE000  }
0x151: {  	_ =	swait.ge [sflag:s28], $0x2000  }
0x152: {  	[sflag:s28] =	ssyncset.done $0x0  }
0x153: {  	s0 =	simm.s32 $0x5;
	[sflag:s28] =	ssyncadd.s32 $0xFFFFE000  }
0x154: {  	_ =	swait.ge [sflag:s0], $0x100  }
0x155: {  	[sflag:s0] =	ssyncset.done $0x0  }
0x156: {  	s10 =	simm.s32 $0x0;
	s14 =	simm.s32 $0x0;
	[sflag:s0] =	ssyncadd.s32 $0xFFFFFF00  }
.LBB2_13:
0x157: {  	s13 =	sshll.u32 s14, $0x4  }
0x158: {  	s2 =	simm.s32 $0x6;
	v4 =	vmov s13  }
0x159: {  	s20 =	simm.s32 $0x5;
	v10 =	vadd.s32 s2, v0;
	v4 =	vshll.u32 v4, $0x6  }
0x15a: {  	s21 =	simm.s32 $0x4;
	v11 =	vadd.s32 s20, v0;
	v14 =	vand.u32 $0x3F, v10;
	v4 =	vor.u32 v1, v4  }
0x15b: {  	s31 =	simm.s32 $0x3;
	v3 =	vld [tilespmem:s13+$0x600];
	v10 =	vadd.s32 s21, v0;
	v16 =	vand.u32 $0x3F, v11;
	v21 =	vor.u32 v4, v14  }
0x15c: {  	v11 =	vadd.s32 s31, v0;
	v17 =	vand.u32 $0x3F, v10;
	v22 =	vor.u32 v4, v16  }
0x15d: {  	v12 =	vand.u32 $0x3F, v11;
	v24 =	vor.u32 v4, v17  }
0x15e: {  	v26 =	vor.u32 v4, v12;
	_ =	sdelay $0x1  }
0x15f: {  	v6 =	vadd.s32 s10, v0;
	v3 =	vshll.u32 v3, $0x6;
	v28 =	vld.idx.msk [tilespmem:v21+s19+$0x0], $0xffff  }
0x160: {  	s15 =	simm.s32 $0x1;
	v7 =	vand.u32 $0x38, v6;
	v5 =	vor.u32 v2, v3;
	v30 =	vld.idx.msk [tilespmem:v22+s19+$0x0], $0xffff  }
0x161: {  	v10 =	vadd.s32 s15, v0;
	v8 =	vor.u32 v7, v5;
	v31 =	vld.idx.msk [tilespmem:v24+s19+$0x0], $0xffff  }
0x162: {  	v10 =	vand.u32 $0x3F, v10;
	v33 =	vld.idx.msk [tilespmem:v26+s19+$0x0], $0xffff  }
0x163: {  	v6 =	vor.u32 v2, v4;
	v13 =	vor.u32 v4, v10;
	v26 =	vld.idx.msk [tilespmem:v26+s23+$0x0], $0xffff  }
0x164: {  	s0 =	simm.s32 $0x7;
	v7 =	vor.u32 v6, v7;
	v24 =	vld.idx.msk [tilespmem:v24+s23+$0x0], $0xffff  }
0x165: {  	s9 =	simm.s32 $0x2;
	v29 =	vimm.f32 $0.0e+00;
	s17 =	simm.s32 $0xE;
	v9 =	vadd.s32 s0, v0;
	v22 =	vld.idx.msk [tilespmem:v22+s23+$0x0], $0xffff  }
0x166: {  	s20 =	simm.s32 $0xF;
	v18 =	vadd.s32 s17, v0;
	v9 =	vand.u32 $0x3F, v9;
	v23 =	vld.idx.msk [tilespmem:v8+s4+$0x0], $0xffff;
	v8 =	vadd.s32 s9, v0  }
0x167: {  	s16 =	simm.s32 $0x8;
	v19 =	vadd.s32 s20, v0;
	s21 =	simm.s32 $0x9;
	v32 =	vor.u32 v3, v10;
	v21 =	vld.idx.msk [tilespmem:v21+s23+$0x0], $0xffff;
	v8 =	vand.u32 $0x3F, v8  }
0x168: {  	s31 =	simm.s32 $0xA;
	v11 =	vadd.s32 s16, v0;
	s15 =	simm.s32 $0xC;
	v38 =	vadd.s32 s21, v0;
	v41 =	vld.idx.msk [tilespmem:v13+s19+$0x0], $0xffff;
	v15 =	vor.u32 v4, v8  }
0x169: {  	s16 =	simm.s32 $0xD;
	v39 =	vadd.s32 s31, v0;
	v20 =	vor.u32 v4, v9;
	v35 =	vadd.s32 s15, v0;
	v25 =	vld.idx.msk [tilespmem:v7+s19+$0x0], $0xffff  }
0x16a: {  	v36 =	vadd.s32 s16, v0;
	v42 =	vand.u32 $0x38, v11;
	v58 =	vor.u32 v3, v16;
	v7 =	vld.idx.msk [tilespmem:v7+s23+$0x0], $0xffff  }
0x16b: {  	v11 =	vand.u32 $0x3F, v19;
	v19 =	vor.u32 v6, v42;
	v43 =	vld.idx.msk [tilespmem:v13+s23+$0x0], $0xffff;
	v40 =	vor.u32 v3, v8  }
0x16c: {  	v10 =	vand.u32 $0x3F, v18;
	v53 =	vor.u32 v3, v12;
	v18 =	vand.u32 $0x3F, v38;
	v32 =	vld.idx.msk [tilespmem:v32+s4+$0x0], $0xffff  }
0x16d: {  	v55 =	vor.u32 v3, v17;
	v56 =	vor.u32 v3, v9;
	v44 =	vor.u32 v42, v5;
	v37 =	vld.idx.msk [tilespmem:v15+s19+$0x0], $0xffff  }
0x16e: {  	v9 =	vor.u32 v4, v10;
	v13 =	vand.u32 $0x3F, v36;
	v26 =	vmul.bf16 v26, v33;
	v54 =	vld.idx.msk [tilespmem:v15+s23+$0x0], $0xffff  }
0x16f: {  	v16 =	vor.u32 v4, v13;
	v61 =	vld.idx.msk [tilespmem:v58+s4+$0x0], $0xffff;
	s9 =	simm.s32 $0xB;
	v24 =	vmul.bf16 v24, v31;
	v17 =	vmul.bf16 v7, v25  }
0x170: {  	v34 =	vadd.s32 s9, v0;
	v22 =	vmul.bf16 v22, v30;
	v41 =	vmul.bf16 v43, v41;
	v57 =	vld.idx.msk [tilespmem:v40+s4+$0x0], $0xffff  }
0x171: {  	v30 =	vmul.bf16 v21, v28;
	v8 =	vand.u32 $0x3F, v35;
	v23 =	vmul.bf16 v23, v17  }
0x172: {  	v12 =	vand.u32 $0x3F, v34;
	v35 =	vld.idx.msk [tilespmem:v53+s4+$0x0], $0xffff;
	v32 =	vmul.bf16 v32, v41;
	v25 =	vor.u32 v3, v14  }
0x173: {  	v59 =	vunpack.i.u.bf16.f32 v23;
	v23 =	vunpack.i.l.bf16.f32 v23;
	v36 =	vmul.bf16 v54, v37  }
0x174: {  	v34 =	vld.idx.msk [tilespmem:v55+s4+$0x0], $0xffff;
	v28 =	vmul.bf16 v61, v22;
	v23 =	vadd.f32 v23, v29;
	v29 =	vadd.f32 v59, v29  }
0x175: {  	v60 =	vunpack.i.u.bf16.f32 v32;
	v32 =	vunpack.i.l.bf16.f32 v32;
	v36 =	vmul.bf16 v57, v36  }
0x176: {  	v27 =	vld.idx.msk [tilespmem:v20+s19+$0x0], $0xffff;
	v7 =	vor.u32 v4, v11;
	v23 =	vadd.f32 v32, v23;
	v29 =	vadd.f32 v60, v29  }
0x177: {  	v31 =	vld.idx.msk [tilespmem:v20+s23+$0x0], $0xffff;
	v26 =	vmul.bf16 v35, v26;
	v20 =	vunpack.i.u.bf16.f32 v36;
	v62 =	vunpack.i.l.bf16.f32 v36  }
0x178: {  	v14 =	vor.u32 v4, v8;
	v63 =	vld.idx.msk [tilespmem:v25+s4+$0x0], $0xffff;
	v23 =	vadd.f32 v62, v23;
	v20 =	vadd.f32 v20, v29  }
0x179: {  	v24 =	vmul.bf16 v34, v24;
	v25 =	vunpack.i.u.bf16.f32 v26;
	v26 =	vunpack.i.l.bf16.f32 v26  }
0x17a: {  	v15 =	vand.u32 $0x3F, v39;
	v26 =	vadd.f32 v26, v23;
	v29 =	vadd.f32 v25, v20;
	v23 =	vld.idx.msk [tilespmem:v56+s4+$0x0], $0xffff  }
0x17b: {  	v17 =	vor.u32 v4, v12;
	v21 =	vunpack.i.u.bf16.f32 v24;
	v24 =	vunpack.i.l.bf16.f32 v24  }
0x17c: {  	v22 =	vld.idx.msk [tilespmem:v19+s19+$0x0], $0xffff;
	v25 =	vadd.f32 v24, v26;
	v26 =	vadd.f32 v21, v29;
	v24 =	vmul.bf16 v31, v27  }
0x17d: {  	s9 =	simm.s32 $0x10;
	v20 =	vld.idx.msk [tilespmem:v44+s4+$0x0], $0xffff;
	v21 =	vunpack.i.u.bf16.f32 v28;
	v28 =	vunpack.i.l.bf16.f32 v28;
	v27 =	vmul.bf16 v63, v30  }
.LBB2_14:
0x17e: {  	p1 =	slt.u32 s9, $0x38;
	v29 =	vld.idx.msk [tilespmem:v19+s23+$0x0], $0xffff;
	v19 =	vor.u32 v4, v15;
	v25 =	vadd.f32 v28, v25;
	v26 =	vadd.f32 v21, v26  }
0x17f: {  	v23 =	vmul.bf16 v23, v24;
	v21 =	vld.idx.msk [tilespmem:v7+s19+$0x0], $0xffff;
	v28 =	vunpack.i.u.bf16.f32 v27;
	v27 =	vunpack.i.l.bf16.f32 v27  }
0x180: {  	v24 =	vor.u32 v4, v18;
	v30 =	vld.idx.msk [tilespmem:v9+s19+$0x0], $0xffff;
	v25 =	vadd.f32 v27, v25;
	v26 =	vadd.f32 v28, v26  }
0x181: {  	v28 =	vunpack.i.u.bf16.f32 v23;
	v23 =	vunpack.i.l.bf16.f32 v23;
	v27 =	vld.idx.msk [tilespmem:v16+s19+$0x0], $0xffff  }
0x182: {  	v31 =	vadd.s32 s9, v0;
	s0 =	sadd.s32 $0x6, s9;
	s2 =	sadd.s32 $0x7, s9;
	v32 =	vld.idx.msk [tilespmem:v14+s19+$0x0], $0xffff;
	v23 =	vadd.f32 v23, v25;
	v25 =	vadd.f32 v28, v26  }
0x183: {  	s15 =	sadd.s32 $0x3, s9;
	s16 =	sadd.s32 $0x4, s9;
	s17 =	sadd.s32 $0x5, s9;
	v18 =	vor.u32 v3, v18;
	v26 =	vadd.s32 s0, v0;
	v28 =	vadd.s32 s2, v0;
	v33 =	vld.idx.msk [tilespmem:v17+s19+$0x0], $0xffff  }
0x184: {  	v34 =	vadd.s32 s15, v0;
	v35 =	vadd.s32 s16, v0;
	v36 =	vadd.s32 s17, v0;
	s0 =	sadd.s32 $0x1, s9;
	s2 =	sadd.s32 $0x2, s9;
	v37 =	vld.idx.msk [tilespmem:v19+s19+$0x0], $0xffff  }
0x185: {  	v41 =	vor.u32 v3, v15;
	v38 =	vadd.s32 s0, v0;
	v39 =	vadd.s32 s2, v0;
	v40 =	vld.idx.msk [tilespmem:v24+s19+$0x0], $0xffff  }
0x186: {  	v31 =	vand.u32 $0x38, v31;
	v26 =	vand.u32 $0x3F, v26;
	v28 =	vand.u32 $0x3F, v28;
	v24 =	vld.idx.msk [tilespmem:v24+s23+$0x0], $0xffff  }
0x187: {  	v43 =	vor.u32 v3, v12;
	v35 =	vand.u32 $0x3F, v35;
	v36 =	vand.u32 $0x3F, v36;
	v42 =	vld.idx.msk [tilespmem:v19+s23+$0x0], $0xffff  }
0x188: {  	v44 =	vor.u32 v31, v5;
	v12 =	vand.u32 $0x3F, v34;
	v15 =	vand.u32 $0x3F, v39;
	v34 =	vld.idx.msk [tilespmem:v18+s4+$0x0], $0xffff  }
0x189: {  	v19 =	vor.u32 v6, v31;
	v18 =	vand.u32 $0x3F, v38;
	v38 =	vor.u32 v3, v8;
	v8 =	vmovc v35;
	v31 =	vld.idx.msk [tilespmem:v17+s23+$0x0], $0xffff  }
0x18a: {  	v35 =	vor.u32 v3, v11;
	v17 =	vmul.bf16 v29, v22;
	v29 =	vor.u32 v3, v10;
	v22 =	vld.idx.msk [tilespmem:v41+s4+$0x0], $0xffff  }
0x18b: {  	v13 =	vor.u32 v3, v13;
	v39 =	vor.u32 v4, v26;
	v41 =	vor.u32 v4, v28;
	v45 =	vld.idx.msk [tilespmem:v14+s23+$0x0], $0xffff  }
0x18c: {  	v46 =	vor.u32 v4, v36;
	v47 =	vmul.bf16 v20, v17;
	v48 =	vmul.bf16 v24, v40;
	v20 =	vld.idx.msk [tilespmem:v43+s4+$0x0], $0xffff  }
0x18d: {  	v17 =	vor.u32 v4, v12;
	v14 =	vor.u32 v4, v8;
	v24 =	vmul.bf16 v42, v37;
	v37 =	vld.idx.msk [tilespmem:v16+s23+$0x0], $0xffff  }
0x18e: {  	v11 =	vmovc v28;
	v10 =	vmovc v26;
	v16 =	vunpack.i.u.bf16.f32 v47;
	v40 =	vunpack.i.l.bf16.f32 v47;
	v34 =	vmul.bf16 v34, v48;
	v38 =	vld.idx.msk [tilespmem:v38+s4+$0x0], $0xffff  }
0x18f: {  	v23 =	vadd.f32 v40, v23;
	v40 =	vadd.f32 v16, v25;
	v25 =	vmul.bf16 v31, v33;
	v26 =	vld.idx.msk [tilespmem:v9+s23+$0x0], $0xffff  }
0x190: {  	v28 =	vunpack.i.u.bf16.f32 v34;
	v31 =	vunpack.i.l.bf16.f32 v34;
	v22 =	vmul.bf16 v22, v24;
	v9 =	vmovc v39;
	v24 =	vld.idx.msk [tilespmem:v13+s4+$0x0], $0xffff;
	v13 =	vmovc v36  }
0x191: {  	v23 =	vadd.f32 v31, v23;
	v28 =	vadd.f32 v28, v40;
	v31 =	vmul.bf16 v45, v32;
	v32 =	vld.idx.msk [tilespmem:v7+s23+$0x0], $0xffff  }
0x192: {  	v16 =	vmovc v46;
	v33 =	vunpack.i.u.bf16.f32 v22;
	v22 =	vunpack.i.l.bf16.f32 v22;
	v20 =	vmul.bf16 v20, v25;
	v7 =	vmovc v41;
	v29 =	vld.idx.msk [tilespmem:v29+s4+$0x0], $0xffff  }
0x193: {  	v22 =	vadd.f32 v22, v23;
	v25 =	vadd.f32 v33, v28;
	v27 =	vmul.bf16 v37, v27  }
.Ltmp8:
0x194: {  	v28 =	vunpack.i.u.bf16.f32 v20;
	v20 =	vunpack.i.l.bf16.f32 v20;
	v31 =	vmul.bf16 v38, v31;
	v23 =	vld.idx.msk [tilespmem:v35+s4+$0x0], $0xffff;
	(pc) =	sbr.rel @p1 .LBB2_14-.Ltmp8, $4  }
0x195: {  	v22 =	vadd.f32 v20, v22;
	v28 =	vadd.f32 v28, v25;
	v30 =	vmul.bf16 v26, v30  }
0x196: {  	v26 =	vunpack.i.u.bf16.f32 v31;
	v25 =	vunpack.i.l.bf16.f32 v31;
	v27 =	vmul.bf16 v24, v27  }
0x197: {  	v25 =	vadd.f32 v25, v22;
	v26 =	vadd.f32 v26, v28;
	v24 =	vmul.bf16 v32, v21;
	v20 =	vld.idx.msk [tilespmem:v44+s4+$0x0], $0xffff  }
0x198: {  	s9 =	sadd.s32 $0x8, s9;
	v21 =	vunpack.i.u.bf16.f32 v27;
	v28 =	vunpack.i.l.bf16.f32 v27;
	v27 =	vmul.bf16 v29, v30;
	v22 =	vld.idx.msk [tilespmem:v19+s19+$0x0], $0xffff  }
0x199: {  	_ =	sdelay $0x3  }
0x19a: {  	v5 =	vld.idx.msk [tilespmem:v19+s23+$0x0], $0xffff  }
0x19b: {  	v6 =	vor.u32 v4, v15;
	v41 =	vld.idx.msk [tilespmem:v7+s19+$0x0], $0xffff  }
0x19c: {  	v42 =	vor.u32 v4, v18;
	v29 =	vld.idx.msk [tilespmem:v9+s19+$0x0], $0xffff  }
0x19d: {  	v30 =	vld.idx.msk [tilespmem:v16+s19+$0x0], $0xffff  }
0x19e: {  	v31 =	vld.idx.msk [tilespmem:v14+s19+$0x0], $0xffff  }
0x19f: {  	v43 =	vor.u32 v3, v18;
	v32 =	vld.idx.msk [tilespmem:v17+s19+$0x0], $0xffff  }
0x1a0: {  	v33 =	vld.idx.msk [tilespmem:v6+s19+$0x0], $0xffff  }
0x1a1: {  	v44 =	vor.u32 v3, v15;
	v34 =	vld.idx.msk [tilespmem:v42+s19+$0x0], $0xffff  }
0x1a2: {  	v25 =	vadd.f32 v28, v25;
	v21 =	vadd.f32 v21, v26;
	v4 =	vld.idx.msk [tilespmem:v42+s23+$0x0], $0xffff  }
0x1a3: {  	v23 =	vmul.bf16 v23, v24;
	v12 =	vor.u32 v3, v12;
	v8 =	vor.u32 v3, v8;
	v6 =	vld.idx.msk [tilespmem:v6+s23+$0x0], $0xffff  }
0x1a4: {  	v13 =	vor.u32 v3, v13;
	v10 =	vor.u32 v3, v10;
	v18 =	vld.idx.msk [tilespmem:v43+s4+$0x0], $0xffff;
	v5 =	vmul.bf16 v5, v22  }
0x1a5: {  	v48 =	vld.idx.msk [tilespmem:v17+s23+$0x0], $0xffff;
	v3 =	vor.u32 v3, v11;
	v45 =	vunpack.i.u.bf16.f32 v27;
	v46 =	vunpack.i.l.bf16.f32 v27  }
0x1a6: {  	v25 =	vadd.f32 v46, v25;
	v21 =	vadd.f32 v45, v21;
	v15 =	vld.idx.msk [tilespmem:v44+s4+$0x0], $0xffff;
	v5 =	vmul.bf16 v20, v5  }
0x1a7: {  	v49 =	vld.idx.msk [tilespmem:v14+s23+$0x0], $0xffff;
	v47 =	vunpack.i.u.bf16.f32 v23;
	v23 =	vunpack.i.l.bf16.f32 v23;
	v4 =	vmul.bf16 v4, v34  }
0x1a8: {  	v23 =	vadd.f32 v23, v25;
	v21 =	vadd.f32 v47, v21;
	v50 =	vld.idx.msk [tilespmem:v12+s4+$0x0], $0xffff;
	v52 =	vunpack.i.u.bf16.f32 v5  }
0x1a9: {  	v51 =	vld.idx.msk [tilespmem:v16+s23+$0x0], $0xffff;
	v5 =	vunpack.i.l.bf16.f32 v5;
	v6 =	vmul.bf16 v6, v33;
	v4 =	vmul.bf16 v18, v4  }
0x1aa: {  	v8 =	vld.idx.msk [tilespmem:v8+s4+$0x0], $0xffff;
	v17 =	vmul.bf16 v48, v32;
	v5 =	vadd.f32 v5, v23;
	v16 =	vadd.f32 v52, v21  }
0x1ab: {  	v53 =	vld.idx.msk [tilespmem:v9+s23+$0x0], $0xffff;
	v6 =	vmul.bf16 v15, v6;
	v18 =	vunpack.i.u.bf16.f32 v4;
	v4 =	vunpack.i.l.bf16.f32 v4  }
0x1ac: {  	v13 =	vld.idx.msk [tilespmem:v13+s4+$0x0], $0xffff;
	v14 =	vmul.bf16 v49, v31;
	v4 =	vadd.f32 v4, v5;
	v54 =	vadd.f32 v18, v16  }
0x1ad: {  	v55 =	vld.idx.msk [tilespmem:v7+s23+$0x0], $0xffff;
	v11 =	vmul.bf16 v50, v17;
	v15 =	vunpack.i.u.bf16.f32 v6;
	v6 =	vunpack.i.l.bf16.f32 v6  }
0x1ae: {  	v10 =	vld.idx.msk [tilespmem:v10+s4+$0x0], $0xffff;
	v56 =	vmul.bf16 v51, v30;
	v4 =	vadd.f32 v6, v4;
	v5 =	vadd.f32 v15, v54  }
0x1af: {  	v8 =	vmul.bf16 v8, v14;
	v57 =	vunpack.i.u.bf16.f32 v11;
	v11 =	vunpack.i.l.bf16.f32 v11  }
0x1b0: {  	v3 =	vld.idx.msk [tilespmem:v3+s4+$0x0], $0xffff;
	v9 =	vmul.bf16 v53, v29;
	v4 =	vadd.f32 v11, v4;
	v5 =	vadd.f32 v57, v5  }
0x1b1: {  	v58 =	vunpack.i.u.bf16.f32 v8;
	v8 =	vunpack.i.l.bf16.f32 v8;
	v6 =	vmul.bf16 v13, v56  }
0x1b2: {  	v7 =	vmul.bf16 v55, v41;
	v4 =	vadd.f32 v8, v4;
	v5 =	vadd.f32 v58, v5  }
0x1b3: {  	v9 =	vmul.bf16 v10, v9;
	v59 =	vunpack.i.u.bf16.f32 v6;
	v6 =	vunpack.i.l.bf16.f32 v6  }
0x1b4: {  	v4 =	vadd.f32 v6, v4;
	v5 =	vadd.f32 v59, v5  }
0x1b5: {  	v3 =	vmul.bf16 v3, v7;
	v60 =	vunpack.i.u.bf16.f32 v9;
	v61 =	vunpack.i.l.bf16.f32 v9  }
0x1b6: {  	v4 =	vadd.f32 v61, v4;
	v5 =	vadd.f32 v60, v5  }
0x1b7: {  	v62 =	vunpack.i.u.bf16.f32 v3;
	v3 =	vunpack.i.l.bf16.f32 v3  }
0x1b8: {  	s14 =	sadd.s32 $0x1, s14;
	v3 =	vadd.f32 v3, v4;
	v63 =	vadd.f32 v62, v5  }
0x1b9: {  	p1 =	sne.s32 s14, $0x10  }
.Ltmp9:
0x1ba: {  	v3 =	vadd.f32 v63, v3;
	(pc) =	sbr.rel @p1 .LBB2_13-.Ltmp9, $3  }
0x1bb: {  	_ = 	snop  }
0x1bc: {  	v3 =	vmul.f32 $7.812500000e-03, v3;
	_ =	sdelay $0x1  }
0x1bd: {  	[tilespmem:s13+$0x10A00] =	vst v3  }
.Ltmp10:
0x1be: {  	(pc) =	sbr.rel .LBB2_17-.Ltmp10, $4  }
0x1bf: {  	_ = 	snop  }
0x1c0: {  	s0 =	rddreg [dreg:$0x6]  }
0x1c1: {  	s9 =	rddreg [dreg:$0x8]  }
0x1c2: {  	[hbm4b:s0+s4] =	stream.linear.scatter [tilespmem:s22], [sflag:$0x5], $0x100, $0x38;
	[tilespmem:$0x10C00] =	vst v63  }
.LBB2_18:
0x1c3: {  	_ =	sfence.sel $0x180000  }
0x1c4: {  	[bflag:$0x0] =	sbarrier.arrive $0xFFFF  }
0x1c5: {  	_ =	strace $0x90000047  }
0x1c6: {  	s0 =	stileid.u32;
	[bflag:$0x2] =	sbarrier.arrive $0xFFFF  }
0x1c7: {  	p0 =	sne.s32 s0, $0x0;
	s0 =	rddreg [dreg:$0x3]  }
0x1c8: {  	s0 =	sadd.s32 @!p0 $0x100000, s0  }
0x1c9: {  	[sflag:s0] =	ssyncadd.tile.s32 @!p0 $0x1;
	_ =	shalt  }
.Lfunc_end2:
_tile_overlayer_lowered:
.L_overlay_start_2:
0x1ca: {  	(tag) =	ssettag $0x2  }
0x1cb: {  	s0 =	rddreg [dreg:$0x0];
	s2 =	stileid.u32  }
0x1cc: {  	s1 =	rddreg [dreg:$0x1];
	p0 =	sne.s32 s2, $0x0  }
0x1cd: {  	s3 =	rddreg [dreg:$0x2];
	[bflag:$0x3] =	sbarrier.arrive $0xFFFF;
	s2 =	simm.s32 @!p0 $0x1C07  }
0x1ce: {  	[timem:s3], [sflag:s2] =	dma.local @!p0 [hbm:s0], s1  }
0x1cf: {  	s0 =	simm.s32 @!p0 $0x7  }
0x1d0: {  	_ =	swait.ge @!p0 [sflag:s0], s1  }
0x1d1: {  	s1 =	ssub.s32 @!p0 $0x0, s1;
	[sflag:s0] =	ssyncset.done @!p0 $0x0  }
0x1d2: {  	[sflag:s0] =	ssyncadd.s32 @!p0 s1  }
0x1d3: {  	[bflag:$0x3] =	sbarrier.arrive $0xFFFF  }
0x1d4: {  	_ =	shalt  }

</sc_bundles>
